<compile_context>
chip_gen: v7x
topology: tpu7x:2x2x1
jax: 0.10.2.dev20260603
libtpu: 0.0.44.dev20260713+nightly
codegen_flags: <defaults>
</compile_context>

<pallas_src>
import functools

import jax
import jax.numpy as jnp
from jax import lax
from jax.experimental import pallas as pl
from jax.experimental.pallas import tpu as pltpu
from jax.experimental.pallas import tpu_sc as plsc

N_TOKEN = 1000000
BATCH = 16384
HIST = 50
EMB = 64
NUM_IDX = BATCH * HIST

CB = 1024
G1 = 489
QROWS = G1 * CB
NV = 2 * QROWS

NW = 32
B_PER_W = NUM_IDX // NW
GW = 256
SUP = 512
KG = SUP // GW
N_SUP = B_PER_W // SUP


def _pair_transpose(tT):
    def body(xa_ref, xb_ref, o_ref):
        o_ref[:, 0:64] = xa_ref[...].T
        o_ref[:, 64:128] = xb_ref[...].T

    return pl.pallas_call(
        body,
        grid=(G1,),
        in_specs=[pl.BlockSpec((64, CB), lambda g: (0, 2 * g)),
                  pl.BlockSpec((64, CB),
                               lambda g: (0, jnp.minimum(2 * g + 1,
                                                         2 * G1 - 3)))],
        out_specs=pl.BlockSpec((CB, 128), lambda g: (g, 0)),
        out_shape=jax.ShapeDtypeStruct((QROWS, 128), jnp.float32),
    )(tT, tT)


def _sc_gather(idx, q):
    qr = q.reshape(NV, EMB)
    mesh = plsc.VectorSubcoreMesh(core_axis_name="c", subcore_axis_name="s")

    @functools.partial(
        pl.kernel,
        mesh=mesh,
        out_type=jax.ShapeDtypeStruct((NUM_IDX, EMB), jnp.float32),
        compiler_params=pltpu.CompilerParams(use_tc_tiling_on_sc=False),
        scratch_types=[
            pltpu.VMEM((B_PER_W,), jnp.int32),
            pltpu.VMEM((2, SUP, EMB), jnp.float32),
            pltpu.SemaphoreType.DMA((2,)),
            pltpu.SemaphoreType.DMA((2,)),
        ],
    )
    def k(q_hbm, idx_hbm, out_hbm, idx_v, rows_v, gsem, wsem):
        wid = lax.axis_index("s") * 2 + lax.axis_index("c")
        base = wid * B_PER_W

        pltpu.sync_copy(idx_hbm.at[pl.ds(base, B_PER_W)], idx_v)

        def fire(slot, b):
            for j in range(KG):
                pltpu.async_copy(
                    q_hbm.at[idx_v.at[pl.ds(slot * SUP + j * GW, GW)]],
                    rows_v.at[b].at[pl.ds(j * GW, GW)],
                    gsem.at[b],
                )

        def drain_gathers(slot, b):
            for j in range(KG):
                pltpu.make_async_copy(
                    q_hbm.at[idx_v.at[pl.ds(slot * SUP + j * GW, GW)]],
                    rows_v.at[b].at[pl.ds(j * GW, GW)],
                    gsem.at[b],
                ).wait()

        def wait_writeback(b):
            pltpu.make_async_copy(
                rows_v.at[b],
                out_hbm.at[pl.ds(base, SUP)],
                wsem.at[b],
            ).wait()

        fire(0, 0)

        @pl.loop(0, N_SUP, step=2)
        def _(g):
            for b in range(2):
                slot = g + b
                oth = 1 - b
                nxt = slot + 1

                @pl.when(nxt < N_SUP)
                def _():
                    @pl.when(slot >= 1)
                    def _():
                        wait_writeback(oth)

                    fire(nxt, oth)

                drain_gathers(slot, b)
                pltpu.async_copy(
                    rows_v.at[b],
                    out_hbm.at[pl.ds(base + slot * SUP, SUP)],
                    wsem.at[b],
                )

        for b in range(2):
            wait_writeback(b)

    return k(qr, idx)


def kernel(x, table):
    xi = x.astype(jnp.int32)
    m = xi & 2047
    j = (xi - m) + jnp.where(m < CB, m << 1, (m << 1) - (2 * CB - 1))
    q = _pair_transpose(table.T)
    out = _sc_gather(j.reshape(-1), q)
    return out.reshape(BATCH, HIST, EMB)

# --- scband reference (transcript-rebuilt; emitter-appended) ---
"""Pipeline reference for scband-embedding-c-40991167873463 (READ-ONLY COPY).

The authoritative reference and input builder live on the scoring server;
editing this copy changes nothing except your own understanding.
"""

import jax, jax.numpy as jnp
import numpy as np

N_TOKEN = 1000000
EMB_DIM = 64
BATCH = 16384
HIST = 50


def setup_inputs(seed: int = 0) -> dict:
    key = jax.random.key(seed)
    k_idx, k_tab = jax.random.split(key)
    x = jax.random.randint(k_idx, (BATCH, HIST), 0, N_TOKEN, dtype=jnp.int64)
    # learned parameter: embedding table, default nn.Embedding init is N(0, 1)
    table = jax.random.normal(k_tab, (N_TOKEN, EMB_DIM), dtype=jnp.float32)
    return {"x": x, "table": table}


def reference(x, table):
    # nn.Embedding forward: row gather from the table
    out = jnp.take(table, x, axis=0)
    return out

if __name__ == "__main__":
    import jax
    _d = setup_inputs()
    print(jax.jit(kernel)(*tuple(_d.values())))

</pallas_src>

<mosaic_0001>
#map = affine_map<(d0, d1) -> (0, 0)>
#map1 = affine_map<(d0, d1) -> (0)>
module attributes {stable_mosaic.version = 14 : i64} {
  func.func @k(%arg0: i32, %arg1: i32, %arg2: memref<1001472x64xf32, #tpu.memory_space<hbm>>, %arg3: memref<819200xi32, #tpu.memory_space<hbm>>, %arg4: memref<819200x64xf32, #tpu.memory_space<hbm>>, %arg5: memref<25600xi32, #tpu.memory_space<vmem>>, %arg6: memref<2x512x64xf32, #tpu.memory_space<vmem>>, %arg7: memref<2x!tpu.dma_semaphore, #tpu.memory_space<semaphore_mem>>, %arg8: memref<2x!tpu.dma_semaphore, #tpu.memory_space<semaphore_mem>>) attributes {dimension_semantics = [#tpu.dimension_semantics<core_parallel>, #tpu.dimension_semantics<subcore_parallel>], iteration_bounds = array<i64: 2, 16>, scalar_prefetch = 0 : i64, scratch_operands = 4 : i64, tpu.core_type = #tpu.core_type<sc_vector_subcore>, window_params = [{transform_indices = #map}, {transform_indices = #map1}, {transform_indices = #map}]} {
    %mul3A = arith.constant 2 : i32
    %mul3A_0 = arith.muli %arg1, %mul3A : i32
    %add3A = arith.addi %mul3A_0, %arg0 : i32
    %mul3A_1 = arith.constant 25600 : i32
    %mul3A_2 = arith.muli %add3A, %mul3A_1 : i32
    "tpu.region"() ({
      %run_scoped3A = tpu.sem_alloc : memref<!tpu.dma_semaphore, #tpu.memory_space<semaphore_mem>>
      %dma_start3A_69 = tpu.memref_slice %arg3[%mul3A_2] : memref<819200xi32, #tpu.memory_space<hbm>> -> memref<25600xi32, #tpu.memory_space<hbm>>
      %dma_start3A_70 = tpu.memref_slice %arg3[%mul3A_2] : memref<819200xi32, #tpu.memory_space<hbm>> -> memref<25600xi32, #tpu.memory_space<hbm>>
      tpu.enqueue_dma source(%dma_start3A_70 : memref<25600xi32, #tpu.memory_space<hbm>>) target(%arg5 : memref<25600xi32, #tpu.memory_space<vmem>>) target_semaphore(%run_scoped3A : memref<!tpu.dma_semaphore, #tpu.memory_space<semaphore_mem>>)
      %dma_wait3A_71 = tpu.memref_slice %arg3[%mul3A_2] : memref<819200xi32, #tpu.memory_space<hbm>> -> memref<25600xi32, #tpu.memory_space<hbm>>
      %dma_wait3A_72 = tpu.memref_slice %arg3[%mul3A_2] : memref<819200xi32, #tpu.memory_space<hbm>> -> memref<25600xi32, #tpu.memory_space<hbm>>
      tpu.wait_dma2 semaphore(%run_scoped3A : memref<!tpu.dma_semaphore, #tpu.memory_space<semaphore_mem>>) src(%dma_wait3A_72 : memref<25600xi32, #tpu.memory_space<hbm>>) dst(%arg5 : memref<25600xi32, #tpu.memory_space<vmem>>)
      tpu.yield
    }) : () -> ()
    %dma_start3A = arith.constant 0 : i32
    %dma_start3A_3 = arith.constant 0 : i32
    %dma_start3A_4 = arith.constant 0 : i32
    %dma_start3A_5 = arith.constant 0 : i32
    %dma_start3A_6 = tpu.memref_slice %arg6[%dma_start3A, %dma_start3A_4, %dma_start3A_5] : memref<2x512x64xf32, #tpu.memory_space<vmem>> -> memref<1x512x64xf32, #tpu.memory_space<vmem>>
    %dma_start3A_7 = tpu.memref_squeeze %dma_start3A_6 : memref<1x512x64xf32, #tpu.memory_space<vmem>> -> memref<512x64xf32, #tpu.memory_space<vmem>>
    %dma_start3A_8 = arith.constant 0 : i32
    %dma_start3A_9 = arith.constant 0 : i32
    %dma_start3A_10 = tpu.memref_slice %dma_start3A_7[%dma_start3A_8, %dma_start3A_9] : memref<512x64xf32, #tpu.memory_space<vmem>> -> memref<256x64xf32, #tpu.memory_space<vmem>>
    %dma_start3A_11 = arith.constant 0 : i32
    %dma_start3A_12 = tpu.memref_slice %arg5[%dma_start3A_11] : memref<25600xi32, #tpu.memory_space<vmem>> -> memref<256xi32, #tpu.memory_space<vmem>>
    %dma_start3A_13 = arith.constant 0 : i32
    %dma_start3A_14 = arith.constant 0 : i32
    %dma_start3A_15 = tpu.memref_slice %arg2[%dma_start3A_13, %dma_start3A_14] : memref<1001472x64xf32, #tpu.memory_space<hbm>> -> memref<1001472x64xf32, #tpu.memory_space<hbm>>
    %dma_start3A_16 = tpu.memref_slice %arg7[%dma_start3A_3] : memref<2x!tpu.dma_semaphore, #tpu.memory_space<semaphore_mem>> -> memref<1x!tpu.dma_semaphore, #tpu.memory_space<semaphore_mem>>
    %dma_start3A_17 = tpu.memref_squeeze %dma_start3A_16 : memref<1x!tpu.dma_semaphore, #tpu.memory_space<semaphore_mem>> -> memref<!tpu.dma_semaphore, #tpu.memory_space<semaphore_mem>>
    tpu.enqueue_indirect_dma source(%dma_start3A_15 : memref<1001472x64xf32, #tpu.memory_space<hbm>>) target(%dma_start3A_10 : memref<256x64xf32, #tpu.memory_space<vmem>>) offsets(%dma_start3A_12 : memref<256xi32, #tpu.memory_space<vmem>>) semaphore(%dma_start3A_17 : memref<!tpu.dma_semaphore, #tpu.memory_space<semaphore_mem>>)
    %dma_start3A_18 = arith.constant 0 : i32
    %dma_start3A_19 = arith.constant 0 : i32
    %dma_start3A_20 = arith.constant 0 : i32
    %dma_start3A_21 = arith.constant 0 : i32
    %dma_start3A_22 = tpu.memref_slice %arg6[%dma_start3A_18, %dma_start3A_20, %dma_start3A_21] : memref<2x512x64xf32, #tpu.memory_space<vmem>> -> memref<1x512x64xf32, #tpu.memory_space<vmem>>
    %dma_start3A_23 = tpu.memref_squeeze %dma_start3A_22 : memref<1x512x64xf32, #tpu.memory_space<vmem>> -> memref<512x64xf32, #tpu.memory_space<vmem>>
    %dma_start3A_24 = arith.constant 256 : i32
    %dma_start3A_25 = arith.constant 0 : i32
    %dma_start3A_26 = tpu.memref_slice %dma_start3A_23[%dma_start3A_24, %dma_start3A_25] : memref<512x64xf32, #tpu.memory_space<vmem>> -> memref<256x64xf32, #tpu.memory_space<vmem>>
    %dma_start3A_27 = arith.constant 256 : i32
    %dma_start3A_28 = tpu.memref_slice %arg5[%dma_start3A_27] : memref<25600xi32, #tpu.memory_space<vmem>> -> memref<256xi32, #tpu.memory_space<vmem>>
    %dma_start3A_29 = arith.constant 0 : i32
    %dma_start3A_30 = arith.constant 0 : i32
    %dma_start3A_31 = tpu.memref_slice %arg2[%dma_start3A_29, %dma_start3A_30] : memref<1001472x64xf32, #tpu.memory_space<hbm>> -> memref<1001472x64xf32, #tpu.memory_space<hbm>>
    %dma_start3A_32 = tpu.memref_slice %arg7[%dma_start3A_19] : memref<2x!tpu.dma_semaphore, #tpu.memory_space<semaphore_mem>> -> memref<1x!tpu.dma_semaphore, #tpu.memory_space<semaphore_mem>>
    %dma_start3A_33 = tpu.memref_squeeze %dma_start3A_32 : memref<1x!tpu.dma_semaphore, #tpu.memory_space<semaphore_mem>> -> memref<!tpu.dma_semaphore, #tpu.memory_space<semaphore_mem>>
    tpu.enqueue_indirect_dma source(%dma_start3A_31 : memref<1001472x64xf32, #tpu.memory_space<hbm>>) target(%dma_start3A_26 : memref<256x64xf32, #tpu.memory_space<vmem>>) offsets(%dma_start3A_28 : memref<256xi32, #tpu.memory_space<vmem>>) semaphore(%dma_start3A_33 : memref<!tpu.dma_semaphore, #tpu.memory_space<semaphore_mem>>)
    %scan3A = arith.constant 0 : i32
    %scan3A_34 = arith.constant 25 : i32
    %scan3A_35 = arith.addi %scan3A, %scan3A_34 : i32
    %scan3A_36 = arith.constant 1 : i32
    scf.for %scan3A_69 = %scan3A to %scan3A_35 step %scan3A_36  : i32 {
      %mul3A_70 = arith.constant 2 : i32
      %mul3A_71 = arith.muli %scan3A_69, %mul3A_70 : i32
      %add3A_72 = arith.constant 0 : i32
      %add3A_73 = arith.addi %add3A_72, %mul3A_71 : i32
      %add3A_74 = arith.constant 0 : i32
      %add3A_75 = arith.addi %add3A_73, %add3A_74 : i32
      %add3A_76 = arith.constant 1 : i32
      %add3A_77 = arith.addi %add3A_75, %add3A_76 : i32
      %lt3A = arith.constant 50 : i32
      %lt3A_78 = arith.cmpi slt, %add3A_77, %lt3A : i32
      %convert_element_type3A = arith.extui %lt3A_78 : i1 to i32
      %cond3A = arith.constant 0 : i32
      %cond3A_79 = arith.cmpi ne, %convert_element_type3A, %cond3A : i32
      scf.if %cond3A_79 {
        %ge3A = arith.constant 1 : i32
        %ge3A_203 = arith.cmpi sge, %add3A_75, %ge3A : i32
        %convert_element_type3A_204 = arith.extui %ge3A_203 : i1 to i32
        %cond3A_205 = arith.constant 0 : i32
        %cond3A_206 = arith.cmpi ne, %convert_element_type3A_204, %cond3A_205 : i32
        scf.if %cond3A_206 {
          %dma_wait3A_245 = arith.constant 1 : i32
          %dma_wait3A_246 = arith.constant 1 : i32
          %dma_wait3A_247 = arith.constant 0 : i32
          %dma_wait3A_248 = arith.constant 0 : i32
          %dma_wait3A_249 = tpu.memref_slice %arg6[%dma_wait3A_245, %dma_wait3A_247, %dma_wait3A_248] : memref<2x512x64xf32, #tpu.memory_space<vmem>> -> memref<1x512x64xf32, #tpu.memory_space<vmem>>
          %dma_wait3A_250 = tpu.memref_squeeze %dma_wait3A_249 : memref<1x512x64xf32, #tpu.memory_space<vmem>> -> memref<512x64xf32, #tpu.memory_space<vmem>>
          %dma_wait3A_251 = arith.constant 0 : i32
          %dma_wait3A_252 = tpu.memref_slice %arg4[%mul3A_2, %dma_wait3A_251] : memref<819200x64xf32, #tpu.memory_space<hbm>> -> memref<512x64xf32, #tpu.memory_space<hbm>>
          %dma_wait3A_253 = tpu.memref_slice %arg8[%dma_wait3A_246] : memref<2x!tpu.dma_semaphore, #tpu.memory_space<semaphore_mem>> -> memref<1x!tpu.dma_semaphore, #tpu.memory_space<semaphore_mem>>
          %dma_wait3A_254 = tpu.memref_squeeze %dma_wait3A_253 : memref<1x!tpu.dma_semaphore, #tpu.memory_space<semaphore_mem>> -> memref<!tpu.dma_semaphore, #tpu.memory_space<semaphore_mem>>
          %dma_wait3A_255 = arith.constant 0 : i32
          %dma_wait3A_256 = tpu.memref_slice %arg4[%mul3A_2, %dma_wait3A_255] : memref<819200x64xf32, #tpu.memory_space<hbm>> -> memref<512x64xf32, #tpu.memory_space<hbm>>
          %dma_wait3A_257 = arith.constant 0 : i32
          %dma_wait3A_258 = arith.constant 0 : i32
          %dma_wait3A_259 = tpu.memref_slice %arg6[%dma_wait3A_245, %dma_wait3A_257, %dma_wait3A_258] : memref<2x512x64xf32, #tpu.memory_space<vmem>> -> memref<1x512x64xf32, #tpu.memory_space<vmem>>
          %dma_wait3A_260 = tpu.memref_squeeze %dma_wait3A_259 : memref<1x512x64xf32, #tpu.memory_space<vmem>> -> memref<512x64xf32, #tpu.memory_space<vmem>>
          tpu.wait_dma2 semaphore(%dma_wait3A_254 : memref<!tpu.dma_semaphore, #tpu.memory_space<semaphore_mem>>) src(%dma_wait3A_260 : memref<512x64xf32, #tpu.memory_space<vmem>>) dst(%dma_wait3A_256 : memref<512x64xf32, #tpu.memory_space<hbm>>)
        } else {
        }
        %mul3A_207 = arith.constant 512 : i32
        %mul3A_208 = arith.muli %add3A_77, %mul3A_207 : i32
        %add3A_209 = arith.constant 0 : i32
        %add3A_210 = arith.addi %mul3A_208, %add3A_209 : i32
        %dma_start3A_211 = arith.constant 1 : i32
        %dma_start3A_212 = arith.constant 1 : i32
        %dma_start3A_213 = arith.constant 0 : i32
        %dma_start3A_214 = arith.constant 0 : i32
        %dma_start3A_215 = tpu.memref_slice %arg6[%dma_start3A_211, %dma_start3A_213, %dma_start3A_214] : memref<2x512x64xf32, #tpu.memory_space<vmem>> -> memref<1x512x64xf32, #tpu.memory_space<vmem>>
        %dma_start3A_216 = tpu.memref_squeeze %dma_start3A_215 : memref<1x512x64xf32, #tpu.memory_space<vmem>> -> memref<512x64xf32, #tpu.memory_space<vmem>>
        %dma_start3A_217 = arith.constant 0 : i32
        %dma_start3A_218 = arith.constant 0 : i32
        %dma_start3A_219 = tpu.memref_slice %dma_start3A_216[%dma_start3A_217, %dma_start3A_218] : memref<512x64xf32, #tpu.memory_space<vmem>> -> memref<256x64xf32, #tpu.memory_space<vmem>>
        %dma_start3A_220 = tpu.memref_slice %arg5[%add3A_210] : memref<25600xi32, #tpu.memory_space<vmem>> -> memref<256xi32, #tpu.memory_space<vmem>>
        %dma_start3A_221 = arith.constant 0 : i32
        %dma_start3A_222 = arith.constant 0 : i32
        %dma_start3A_223 = tpu.memref_slice %arg2[%dma_start3A_221, %dma_start3A_222] : memref<1001472x64xf32, #tpu.memory_space<hbm>> -> memref<1001472x64xf32, #tpu.memory_space<hbm>>
        %dma_start3A_224 = tpu.memref_slice %arg7[%dma_start3A_212] : memref<2x!tpu.dma_semaphore, #tpu.memory_space<semaphore_mem>> -> memref<1x!tpu.dma_semaphore, #tpu.memory_space<semaphore_mem>>
        %dma_start3A_225 = tpu.memref_squeeze %dma_start3A_224 : memref<1x!tpu.dma_semaphore, #tpu.memory_space<semaphore_mem>> -> memref<!tpu.dma_semaphore, #tpu.memory_space<semaphore_mem>>
        tpu.enqueue_indirect_dma source(%dma_start3A_223 : memref<1001472x64xf32, #tpu.memory_space<hbm>>) target(%dma_start3A_219 : memref<256x64xf32, #tpu.memory_space<vmem>>) offsets(%dma_start3A_220 : memref<256xi32, #tpu.memory_space<vmem>>) semaphore(%dma_start3A_225 : memref<!tpu.dma_semaphore, #tpu.memory_space<semaphore_mem>>)
        %mul3A_226 = arith.constant 512 : i32
        %mul3A_227 = arith.muli %add3A_77, %mul3A_226 : i32
        %add3A_228 = arith.constant 256 : i32
        %add3A_229 = arith.addi %mul3A_227, %add3A_228 : i32
        %dma_start3A_230 = arith.constant 1 : i32
        %dma_start3A_231 = arith.constant 1 : i32
        %dma_start3A_232 = arith.constant 0 : i32
        %dma_start3A_233 = arith.constant 0 : i32
        %dma_start3A_234 = tpu.memref_slice %arg6[%dma_start3A_230, %dma_start3A_232, %dma_start3A_233] : memref<2x512x64xf32, #tpu.memory_space<vmem>> -> memref<1x512x64xf32, #tpu.memory_space<vmem>>
        %dma_start3A_235 = tpu.memref_squeeze %dma_start3A_234 : memref<1x512x64xf32, #tpu.memory_space<vmem>> -> memref<512x64xf32, #tpu.memory_space<vmem>>
        %dma_start3A_236 = arith.constant 256 : i32
        %dma_start3A_237 = arith.constant 0 : i32
        %dma_start3A_238 = tpu.memref_slice %dma_start3A_235[%dma_start3A_236, %dma_start3A_237] : memref<512x64xf32, #tpu.memory_space<vmem>> -> memref<256x64xf32, #tpu.memory_space<vmem>>
        %dma_start3A_239 = tpu.memref_slice %arg5[%add3A_229] : memref<25600xi32, #tpu.memory_space<vmem>> -> memref<256xi32, #tpu.memory_space<vmem>>
        %dma_start3A_240 = arith.constant 0 : i32
        %dma_start3A_241 = arith.constant 0 : i32
        %dma_start3A_242 = tpu.memref_slice %arg2[%dma_start3A_240, %dma_start3A_241] : memref<1001472x64xf32, #tpu.memory_space<hbm>> -> memref<1001472x64xf32, #tpu.memory_space<hbm>>
        %dma_start3A_243 = tpu.memref_slice %arg7[%dma_start3A_231] : memref<2x!tpu.dma_semaphore, #tpu.memory_space<semaphore_mem>> -> memref<1x!tpu.dma_semaphore, #tpu.memory_space<semaphore_mem>>
        %dma_start3A_244 = tpu.memref_squeeze %dma_start3A_243 : memref<1x!tpu.dma_semaphore, #tpu.memory_space<semaphore_mem>> -> memref<!tpu.dma_semaphore, #tpu.memory_space<semaphore_mem>>
        tpu.enqueue_indirect_dma source(%dma_start3A_242 : memref<1001472x64xf32, #tpu.memory_space<hbm>>) target(%dma_start3A_238 : memref<256x64xf32, #tpu.memory_space<vmem>>) offsets(%dma_start3A_239 : memref<256xi32, #tpu.memory_space<vmem>>) semaphore(%dma_start3A_244 : memref<!tpu.dma_semaphore, #tpu.memory_space<semaphore_mem>>)
      } else {
      }
      %mul3A_80 = arith.constant 512 : i32
      %mul3A_81 = arith.muli %add3A_75, %mul3A_80 : i32
      %add3A_82 = arith.constant 0 : i32
      %add3A_83 = arith.addi %mul3A_81, %add3A_82 : i32
      %dma_wait3A_84 = arith.constant 0 : i32
      %dma_wait3A_85 = arith.constant 0 : i32
      %dma_wait3A_86 = arith.constant 0 : i32
      %dma_wait3A_87 = arith.constant 0 : i32
      %dma_wait3A_88 = tpu.memref_slice %arg6[%dma_wait3A_84, %dma_wait3A_86, %dma_wait3A_87] : memref<2x512x64xf32, #tpu.memory_space<vmem>> -> memref<1x512x64xf32, #tpu.memory_space<vmem>>
      %dma_wait3A_89 = tpu.memref_squeeze %dma_wait3A_88 : memref<1x512x64xf32, #tpu.memory_space<vmem>> -> memref<512x64xf32, #tpu.memory_space<vmem>>
      %dma_wait3A_90 = arith.constant 0 : i32
      %dma_wait3A_91 = arith.constant 0 : i32
      %dma_wait3A_92 = tpu.memref_slice %dma_wait3A_89[%dma_wait3A_90, %dma_wait3A_91] : memref<512x64xf32, #tpu.memory_space<vmem>> -> memref<256x64xf32, #tpu.memory_space<vmem>>
      %dma_wait3A_93 = tpu.memref_slice %arg5[%add3A_83] : memref<25600xi32, #tpu.memory_space<vmem>> -> memref<256xi32, #tpu.memory_space<vmem>>
      %dma_wait3A_94 = arith.constant 0 : i32
      %dma_wait3A_95 = arith.constant 0 : i32
      %dma_wait3A_96 = tpu.memref_slice %arg2[%dma_wait3A_94, %dma_wait3A_95] : memref<1001472x64xf32, #tpu.memory_space<hbm>> -> memref<1001472x64xf32, #tpu.memory_space<hbm>>
      %dma_wait3A_97 = tpu.memref_slice %arg7[%dma_wait3A_85] : memref<2x!tpu.dma_semaphore, #tpu.memory_space<semaphore_mem>> -> memref<1x!tpu.dma_semaphore, #tpu.memory_space<semaphore_mem>>
      %dma_wait3A_98 = tpu.memref_squeeze %dma_wait3A_97 : memref<1x!tpu.dma_semaphore, #tpu.memory_space<semaphore_mem>> -> memref<!tpu.dma_semaphore, #tpu.memory_space<semaphore_mem>>
      tpu.wait_indirect_dma semaphore(%dma_wait3A_98 : memref<!tpu.dma_semaphore, #tpu.memory_space<semaphore_mem>>) src(%dma_wait3A_96 : memref<1001472x64xf32, #tpu.memory_space<hbm>>) dst(%dma_wait3A_92 : memref<256x64xf32, #tpu.memory_space<vmem>>)
      %mul3A_99 = arith.constant 512 : i32
      %mul3A_100 = arith.muli %add3A_75, %mul3A_99 : i32
      %add3A_101 = arith.constant 256 : i32
      %add3A_102 = arith.addi %mul3A_100, %add3A_101 : i32
      %dma_wait3A_103 = arith.constant 0 : i32
      %dma_wait3A_104 = arith.constant 0 : i32
      %dma_wait3A_105 = arith.constant 0 : i32
      %dma_wait3A_106 = arith.constant 0 : i32
      %dma_wait3A_107 = tpu.memref_slice %arg6[%dma_wait3A_103, %dma_wait3A_105, %dma_wait3A_106] : memref<2x512x64xf32, #tpu.memory_space<vmem>> -> memref<1x512x64xf32, #tpu.memory_space<vmem>>
      %dma_wait3A_108 = tpu.memref_squeeze %dma_wait3A_107 : memref<1x512x64xf32, #tpu.memory_space<vmem>> -> memref<512x64xf32, #tpu.memory_space<vmem>>
      %dma_wait3A_109 = arith.constant 256 : i32
      %dma_wait3A_110 = arith.constant 0 : i32
      %dma_wait3A_111 = tpu.memref_slice %dma_wait3A_108[%dma_wait3A_109, %dma_wait3A_110] : memref<512x64xf32, #tpu.memory_space<vmem>> -> memref<256x64xf32, #tpu.memory_space<vmem>>
      %dma_wait3A_112 = tpu.memref_slice %arg5[%add3A_102] : memref<25600xi32, #tpu.memory_space<vmem>> -> memref<256xi32, #tpu.memory_space<vmem>>
      %dma_wait3A_113 = arith.constant 0 : i32
      %dma_wait3A_114 = arith.constant 0 : i32
      %dma_wait3A_115 = tpu.memref_slice %arg2[%dma_wait3A_113, %dma_wait3A_114] : memref<1001472x64xf32, #tpu.memory_space<hbm>> -> memref<1001472x64xf32, #tpu.memory_space<hbm>>
      %dma_wait3A_116 = tpu.memref_slice %arg7[%dma_wait3A_104] : memref<2x!tpu.dma_semaphore, #tpu.memory_space<semaphore_mem>> -> memref<1x!tpu.dma_semaphore, #tpu.memory_space<semaphore_mem>>
      %dma_wait3A_117 = tpu.memref_squeeze %dma_wait3A_116 : memref<1x!tpu.dma_semaphore, #tpu.memory_space<semaphore_mem>> -> memref<!tpu.dma_semaphore, #tpu.memory_space<semaphore_mem>>
      tpu.wait_indirect_dma semaphore(%dma_wait3A_117 : memref<!tpu.dma_semaphore, #tpu.memory_space<semaphore_mem>>) src(%dma_wait3A_115 : memref<1001472x64xf32, #tpu.memory_space<hbm>>) dst(%dma_wait3A_111 : memref<256x64xf32, #tpu.memory_space<vmem>>)
      %mul3A_118 = arith.constant 512 : i32
      %mul3A_119 = arith.muli %add3A_75, %mul3A_118 : i32
      %add3A_120 = arith.addi %mul3A_2, %mul3A_119 : i32
      %dma_start3A_121 = arith.constant 0 : i32
      %dma_start3A_122 = arith.constant 0 : i32
      %dma_start3A_123 = arith.constant 0 : i32
      %dma_start3A_124 = arith.constant 0 : i32
      %dma_start3A_125 = tpu.memref_slice %arg6[%dma_start3A_121, %dma_start3A_123, %dma_start3A_124] : memref<2x512x64xf32, #tpu.memory_space<vmem>> -> memref<1x512x64xf32, #tpu.memory_space<vmem>>
      %dma_start3A_126 = tpu.memref_squeeze %dma_start3A_125 : memref<1x512x64xf32, #tpu.memory_space<vmem>> -> memref<512x64xf32, #tpu.memory_space<vmem>>
      %dma_start3A_127 = arith.constant 0 : i32
      %dma_start3A_128 = tpu.memref_slice %arg4[%add3A_120, %dma_start3A_127] : memref<819200x64xf32, #tpu.memory_space<hbm>> -> memref<512x64xf32, #tpu.memory_space<hbm>>
      %dma_start3A_129 = tpu.memref_slice %arg8[%dma_start3A_122] : memref<2x!tpu.dma_semaphore, #tpu.memory_space<semaphore_mem>> -> memref<1x!tpu.dma_semaphore, #tpu.memory_space<semaphore_mem>>
      %dma_start3A_130 = tpu.memref_squeeze %dma_start3A_129 : memref<1x!tpu.dma_semaphore, #tpu.memory_space<semaphore_mem>> -> memref<!tpu.dma_semaphore, #tpu.memory_space<semaphore_mem>>
      %dma_start3A_131 = arith.constant 0 : i32
      %dma_start3A_132 = tpu.memref_slice %arg4[%add3A_120, %dma_start3A_131] : memref<819200x64xf32, #tpu.memory_space<hbm>> -> memref<512x64xf32, #tpu.memory_space<hbm>>
      %dma_start3A_133 = arith.constant 0 : i32
      %dma_start3A_134 = arith.constant 0 : i32
      %dma_start3A_135 = tpu.memref_slice %arg6[%dma_start3A_121, %dma_start3A_133, %dma_start3A_134] : memref<2x512x64xf32, #tpu.memory_space<vmem>> -> memref<1x512x64xf32, #tpu.memory_space<vmem>>
      %dma_start3A_136 = tpu.memref_squeeze %dma_start3A_135 : memref<1x512x64xf32, #tpu.memory_space<vmem>> -> memref<512x64xf32, #tpu.memory_space<vmem>>
      tpu.enqueue_dma source(%dma_start3A_136 : memref<512x64xf32, #tpu.memory_space<vmem>>) target(%dma_start3A_132 : memref<512x64xf32, #tpu.memory_space<hbm>>) target_semaphore(%dma_start3A_130 : memref<!tpu.dma_semaphore, #tpu.memory_space<semaphore_mem>>)
      %add3A_137 = arith.constant 1 : i32
      %add3A_138 = arith.addi %add3A_73, %add3A_137 : i32
      %add3A_139 = arith.constant 1 : i32
      %add3A_140 = arith.addi %add3A_138, %add3A_139 : i32
      %lt3A_141 = arith.constant 50 : i32
      %lt3A_142 = arith.cmpi slt, %add3A_140, %lt3A_141 : i32
      %convert_element_type3A_143 = arith.extui %lt3A_142 : i1 to i32
      %cond3A_144 = arith.constant 0 : i32
      %cond3A_145 = arith.cmpi ne, %convert_element_type3A_143, %cond3A_144 : i32
      scf.if %cond3A_145 {
        %ge3A = arith.constant 1 : i32
        %ge3A_203 = arith.cmpi sge, %add3A_138, %ge3A : i32
        %convert_element_type3A_204 = arith.extui %ge3A_203 : i1 to i32
        %cond3A_205 = arith.constant 0 : i32
        %cond3A_206 = arith.cmpi ne, %convert_element_type3A_204, %cond3A_205 : i32
        scf.if %cond3A_206 {
          %dma_wait3A_245 = arith.constant 0 : i32
          %dma_wait3A_246 = arith.constant 0 : i32
          %dma_wait3A_247 = arith.constant 0 : i32
          %dma_wait3A_248 = arith.constant 0 : i32
          %dma_wait3A_249 = tpu.memref_slice %arg6[%dma_wait3A_245, %dma_wait3A_247, %dma_wait3A_248] : memref<2x512x64xf32, #tpu.memory_space<vmem>> -> memref<1x512x64xf32, #tpu.memory_space<vmem>>
          %dma_wait3A_250 = tpu.memref_squeeze %dma_wait3A_249 : memref<1x512x64xf32, #tpu.memory_space<vmem>> -> memref<512x64xf32, #tpu.memory_space<vmem>>
          %dma_wait3A_251 = arith.constant 0 : i32
          %dma_wait3A_252 = tpu.memref_slice %arg4[%mul3A_2, %dma_wait3A_251] : memref<819200x64xf32, #tpu.memory_space<hbm>> -> memref<512x64xf32, #tpu.memory_space<hbm>>
          %dma_wait3A_253 = tpu.memref_slice %arg8[%dma_wait3A_246] : memref<2x!tpu.dma_semaphore, #tpu.memory_space<semaphore_mem>> -> memref<1x!tpu.dma_semaphore, #tpu.memory_space<semaphore_mem>>
          %dma_wait3A_254 = tpu.memref_squeeze %dma_wait3A_253 : memref<1x!tpu.dma_semaphore, #tpu.memory_space<semaphore_mem>> -> memref<!tpu.dma_semaphore, #tpu.memory_space<semaphore_mem>>
          %dma_wait3A_255 = arith.constant 0 : i32
          %dma_wait3A_256 = tpu.memref_slice %arg4[%mul3A_2, %dma_wait3A_255] : memref<819200x64xf32, #tpu.memory_space<hbm>> -> memref<512x64xf32, #tpu.memory_space<hbm>>
          %dma_wait3A_257 = arith.constant 0 : i32
          %dma_wait3A_258 = arith.constant 0 : i32
          %dma_wait3A_259 = tpu.memref_slice %arg6[%dma_wait3A_245, %dma_wait3A_257, %dma_wait3A_258] : memref<2x512x64xf32, #tpu.memory_space<vmem>> -> memref<1x512x64xf32, #tpu.memory_space<vmem>>
          %dma_wait3A_260 = tpu.memref_squeeze %dma_wait3A_259 : memref<1x512x64xf32, #tpu.memory_space<vmem>> -> memref<512x64xf32, #tpu.memory_space<vmem>>
          tpu.wait_dma2 semaphore(%dma_wait3A_254 : memref<!tpu.dma_semaphore, #tpu.memory_space<semaphore_mem>>) src(%dma_wait3A_260 : memref<512x64xf32, #tpu.memory_space<vmem>>) dst(%dma_wait3A_256 : memref<512x64xf32, #tpu.memory_space<hbm>>)
        } else {
        }
        %mul3A_207 = arith.constant 512 : i32
        %mul3A_208 = arith.muli %add3A_140, %mul3A_207 : i32
        %add3A_209 = arith.constant 0 : i32
        %add3A_210 = arith.addi %mul3A_208, %add3A_209 : i32
        %dma_start3A_211 = arith.constant 0 : i32
        %dma_start3A_212 = arith.constant 0 : i32
        %dma_start3A_213 = arith.constant 0 : i32
        %dma_start3A_214 = arith.constant 0 : i32
        %dma_start3A_215 = tpu.memref_slice %arg6[%dma_start3A_211, %dma_start3A_213, %dma_start3A_214] : memref<2x512x64xf32, #tpu.memory_space<vmem>> -> memref<1x512x64xf32, #tpu.memory_space<vmem>>
        %dma_start3A_216 = tpu.memref_squeeze %dma_start3A_215 : memref<1x512x64xf32, #tpu.memory_space<vmem>> -> memref<512x64xf32, #tpu.memory_space<vmem>>
        %dma_start3A_217 = arith.constant 0 : i32
        %dma_start3A_218 = arith.constant 0 : i32
        %dma_start3A_219 = tpu.memref_slice %dma_start3A_216[%dma_start3A_217, %dma_start3A_218] : memref<512x64xf32, #tpu.memory_space<vmem>> -> memref<256x64xf32, #tpu.memory_space<vmem>>
        %dma_start3A_220 = tpu.memref_slice %arg5[%add3A_210] : memref<25600xi32, #tpu.memory_space<vmem>> -> memref<256xi32, #tpu.memory_space<vmem>>
        %dma_start3A_221 = arith.constant 0 : i32
        %dma_start3A_222 = arith.constant 0 : i32
        %dma_start3A_223 = tpu.memref_slice %arg2[%dma_start3A_221, %dma_start3A_222] : memref<1001472x64xf32, #tpu.memory_space<hbm>> -> memref<1001472x64xf32, #tpu.memory_space<hbm>>
        %dma_start3A_224 = tpu.memref_slice %arg7[%dma_start3A_212] : memref<2x!tpu.dma_semaphore, #tpu.memory_space<semaphore_mem>> -> memref<1x!tpu.dma_semaphore, #tpu.memory_space<semaphore_mem>>
        %dma_start3A_225 = tpu.memref_squeeze %dma_start3A_224 : memref<1x!tpu.dma_semaphore, #tpu.memory_space<semaphore_mem>> -> memref<!tpu.dma_semaphore, #tpu.memory_space<semaphore_mem>>
        tpu.enqueue_indirect_dma source(%dma_start3A_223 : memref<1001472x64xf32, #tpu.memory_space<hbm>>) target(%dma_start3A_219 : memref<256x64xf32, #tpu.memory_space<vmem>>) offsets(%dma_start3A_220 : memref<256xi32, #tpu.memory_space<vmem>>) semaphore(%dma_start3A_225 : memref<!tpu.dma_semaphore, #tpu.memory_space<semaphore_mem>>)
        %mul3A_226 = arith.constant 512 : i32
        %mul3A_227 = arith.muli %add3A_140, %mul3A_226 : i32
        %add3A_228 = arith.constant 256 : i32
        %add3A_229 = arith.addi %mul3A_227, %add3A_228 : i32
        %dma_start3A_230 = arith.constant 0 : i32
        %dma_start3A_231 = arith.constant 0 : i32
        %dma_start3A_232 = arith.constant 0 : i32
        %dma_start3A_233 = arith.constant 0 : i32
        %dma_start3A_234 = tpu.memref_slice %arg6[%dma_start3A_230, %dma_start3A_232, %dma_start3A_233] : memref<2x512x64xf32, #tpu.memory_space<vmem>> -> memref<1x512x64xf32, #tpu.memory_space<vmem>>
        %dma_start3A_235 = tpu.memref_squeeze %dma_start3A_234 : memref<1x512x64xf32, #tpu.memory_space<vmem>> -> memref<512x64xf32, #tpu.memory_space<vmem>>
        %dma_start3A_236 = arith.constant 256 : i32
        %dma_start3A_237 = arith.constant 0 : i32
        %dma_start3A_238 = tpu.memref_slice %dma_start3A_235[%dma_start3A_236, %dma_start3A_237] : memref<512x64xf32, #tpu.memory_space<vmem>> -> memref<256x64xf32, #tpu.memory_space<vmem>>
        %dma_start3A_239 = tpu.memref_slice %arg5[%add3A_229] : memref<25600xi32, #tpu.memory_space<vmem>> -> memref<256xi32, #tpu.memory_space<vmem>>
        %dma_start3A_240 = arith.constant 0 : i32
        %dma_start3A_241 = arith.constant 0 : i32
        %dma_start3A_242 = tpu.memref_slice %arg2[%dma_start3A_240, %dma_start3A_241] : memref<1001472x64xf32, #tpu.memory_space<hbm>> -> memref<1001472x64xf32, #tpu.memory_space<hbm>>
        %dma_start3A_243 = tpu.memref_slice %arg7[%dma_start3A_231] : memref<2x!tpu.dma_semaphore, #tpu.memory_space<semaphore_mem>> -> memref<1x!tpu.dma_semaphore, #tpu.memory_space<semaphore_mem>>
        %dma_start3A_244 = tpu.memref_squeeze %dma_start3A_243 : memref<1x!tpu.dma_semaphore, #tpu.memory_space<semaphore_mem>> -> memref<!tpu.dma_semaphore, #tpu.memory_space<semaphore_mem>>
        tpu.enqueue_indirect_dma source(%dma_start3A_242 : memref<1001472x64xf32, #tpu.memory_space<hbm>>) target(%dma_start3A_238 : memref<256x64xf32, #tpu.memory_space<vmem>>) offsets(%dma_start3A_239 : memref<256xi32, #tpu.memory_space<vmem>>) semaphore(%dma_start3A_244 : memref<!tpu.dma_semaphore, #tpu.memory_space<semaphore_mem>>)
      } else {
      }
      %mul3A_146 = arith.constant 512 : i32
      %mul3A_147 = arith.muli %add3A_138, %mul3A_146 : i32
      %add3A_148 = arith.constant 0 : i32
      %add3A_149 = arith.addi %mul3A_147, %add3A_148 : i32
      %dma_wait3A_150 = arith.constant 1 : i32
      %dma_wait3A_151 = arith.constant 1 : i32
      %dma_wait3A_152 = arith.constant 0 : i32
      %dma_wait3A_153 = arith.constant 0 : i32
      %dma_wait3A_154 = tpu.memref_slice %arg6[%dma_wait3A_150, %dma_wait3A_152, %dma_wait3A_153] : memref<2x512x64xf32, #tpu.memory_space<vmem>> -> memref<1x512x64xf32, #tpu.memory_space<vmem>>
      %dma_wait3A_155 = tpu.memref_squeeze %dma_wait3A_154 : memref<1x512x64xf32, #tpu.memory_space<vmem>> -> memref<512x64xf32, #tpu.memory_space<vmem>>
      %dma_wait3A_156 = arith.constant 0 : i32
      %dma_wait3A_157 = arith.constant 0 : i32
      %dma_wait3A_158 = tpu.memref_slice %dma_wait3A_155[%dma_wait3A_156, %dma_wait3A_157] : memref<512x64xf32, #tpu.memory_space<vmem>> -> memref<256x64xf32, #tpu.memory_space<vmem>>
      %dma_wait3A_159 = tpu.memref_slice %arg5[%add3A_149] : memref<25600xi32, #tpu.memory_space<vmem>> -> memref<256xi32, #tpu.memory_space<vmem>>
      %dma_wait3A_160 = arith.constant 0 : i32
      %dma_wait3A_161 = arith.constant 0 : i32
      %dma_wait3A_162 = tpu.memref_slice %arg2[%dma_wait3A_160, %dma_wait3A_161] : memref<1001472x64xf32, #tpu.memory_space<hbm>> -> memref<1001472x64xf32, #tpu.memory_space<hbm>>
      %dma_wait3A_163 = tpu.memref_slice %arg7[%dma_wait3A_151] : memref<2x!tpu.dma_semaphore, #tpu.memory_space<semaphore_mem>> -> memref<1x!tpu.dma_semaphore, #tpu.memory_space<semaphore_mem>>
      %dma_wait3A_164 = tpu.memref_squeeze %dma_wait3A_163 : memref<1x!tpu.dma_semaphore, #tpu.memory_space<semaphore_mem>> -> memref<!tpu.dma_semaphore, #tpu.memory_space<semaphore_mem>>
      tpu.wait_indirect_dma semaphore(%dma_wait3A_164 : memref<!tpu.dma_semaphore, #tpu.memory_space<semaphore_mem>>) src(%dma_wait3A_162 : memref<1001472x64xf32, #tpu.memory_space<hbm>>) dst(%dma_wait3A_158 : memref<256x64xf32, #tpu.memory_space<vmem>>)
      %mul3A_165 = arith.constant 512 : i32
      %mul3A_166 = arith.muli %add3A_138, %mul3A_165 : i32
      %add3A_167 = arith.constant 256 : i32
      %add3A_168 = arith.addi %mul3A_166, %add3A_167 : i32
      %dma_wait3A_169 = arith.constant 1 : i32
      %dma_wait3A_170 = arith.constant 1 : i32
      %dma_wait3A_171 = arith.constant 0 : i32
      %dma_wait3A_172 = arith.constant 0 : i32
      %dma_wait3A_173 = tpu.memref_slice %arg6[%dma_wait3A_169, %dma_wait3A_171, %dma_wait3A_172] : memref<2x512x64xf32, #tpu.memory_space<vmem>> -> memref<1x512x64xf32, #tpu.memory_space<vmem>>
      %dma_wait3A_174 = tpu.memref_squeeze %dma_wait3A_173 : memref<1x512x64xf32, #tpu.memory_space<vmem>> -> memref<512x64xf32, #tpu.memory_space<vmem>>
      %dma_wait3A_175 = arith.constant 256 : i32
      %dma_wait3A_176 = arith.constant 0 : i32
      %dma_wait3A_177 = tpu.memref_slice %dma_wait3A_174[%dma_wait3A_175, %dma_wait3A_176] : memref<512x64xf32, #tpu.memory_space<vmem>> -> memref<256x64xf32, #tpu.memory_space<vmem>>
      %dma_wait3A_178 = tpu.memref_slice %arg5[%add3A_168] : memref<25600xi32, #tpu.memory_space<vmem>> -> memref<256xi32, #tpu.memory_space<vmem>>
      %dma_wait3A_179 = arith.constant 0 : i32
      %dma_wait3A_180 = arith.constant 0 : i32
      %dma_wait3A_181 = tpu.memref_slice %arg2[%dma_wait3A_179, %dma_wait3A_180] : memref<1001472x64xf32, #tpu.memory_space<hbm>> -> memref<1001472x64xf32, #tpu.memory_space<hbm>>
      %dma_wait3A_182 = tpu.memref_slice %arg7[%dma_wait3A_170] : memref<2x!tpu.dma_semaphore, #tpu.memory_space<semaphore_mem>> -> memref<1x!tpu.dma_semaphore, #tpu.memory_space<semaphore_mem>>
      %dma_wait3A_183 = tpu.memref_squeeze %dma_wait3A_182 : memref<1x!tpu.dma_semaphore, #tpu.memory_space<semaphore_mem>> -> memref<!tpu.dma_semaphore, #tpu.memory_space<semaphore_mem>>
      tpu.wait_indirect_dma semaphore(%dma_wait3A_183 : memref<!tpu.dma_semaphore, #tpu.memory_space<semaphore_mem>>) src(%dma_wait3A_181 : memref<1001472x64xf32, #tpu.memory_space<hbm>>) dst(%dma_wait3A_177 : memref<256x64xf32, #tpu.memory_space<vmem>>)
      %mul3A_184 = arith.constant 512 : i32
      %mul3A_185 = arith.muli %add3A_138, %mul3A_184 : i32
      %add3A_186 = arith.addi %mul3A_2, %mul3A_185 : i32
      %dma_start3A_187 = arith.constant 1 : i32
      %dma_start3A_188 = arith.constant 1 : i32
      %dma_start3A_189 = arith.constant 0 : i32
      %dma_start3A_190 = arith.constant 0 : i32
      %dma_start3A_191 = tpu.memref_slice %arg6[%dma_start3A_187, %dma_start3A_189, %dma_start3A_190] : memref<2x512x64xf32, #tpu.memory_space<vmem>> -> memref<1x512x64xf32, #tpu.memory_space<vmem>>
      %dma_start3A_192 = tpu.memref_squeeze %dma_start3A_191 : memref<1x512x64xf32, #tpu.memory_space<vmem>> -> memref<512x64xf32, #tpu.memory_space<vmem>>
      %dma_start3A_193 = arith.constant 0 : i32
      %dma_start3A_194 = tpu.memref_slice %arg4[%add3A_186, %dma_start3A_193] : memref<819200x64xf32, #tpu.memory_space<hbm>> -> memref<512x64xf32, #tpu.memory_space<hbm>>
      %dma_start3A_195 = tpu.memref_slice %arg8[%dma_start3A_188] : memref<2x!tpu.dma_semaphore, #tpu.memory_space<semaphore_mem>> -> memref<1x!tpu.dma_semaphore, #tpu.memory_space<semaphore_mem>>
      %dma_start3A_196 = tpu.memref_squeeze %dma_start3A_195 : memref<1x!tpu.dma_semaphore, #tpu.memory_space<semaphore_mem>> -> memref<!tpu.dma_semaphore, #tpu.memory_space<semaphore_mem>>
      %dma_start3A_197 = arith.constant 0 : i32
      %dma_start3A_198 = tpu.memref_slice %arg4[%add3A_186, %dma_start3A_197] : memref<819200x64xf32, #tpu.memory_space<hbm>> -> memref<512x64xf32, #tpu.memory_space<hbm>>
      %dma_start3A_199 = arith.constant 0 : i32
      %dma_start3A_200 = arith.constant 0 : i32
      %dma_start3A_201 = tpu.memref_slice %arg6[%dma_start3A_187, %dma_start3A_199, %dma_start3A_200] : memref<2x512x64xf32, #tpu.memory_space<vmem>> -> memref<1x512x64xf32, #tpu.memory_space<vmem>>
      %dma_start3A_202 = tpu.memref_squeeze %dma_start3A_201 : memref<1x512x64xf32, #tpu.memory_space<vmem>> -> memref<512x64xf32, #tpu.memory_space<vmem>>
      tpu.enqueue_dma source(%dma_start3A_202 : memref<512x64xf32, #tpu.memory_space<vmem>>) target(%dma_start3A_198 : memref<512x64xf32, #tpu.memory_space<hbm>>) target_semaphore(%dma_start3A_196 : memref<!tpu.dma_semaphore, #tpu.memory_space<semaphore_mem>>)
    }
    %scan3A_37 = arith.constant 25 : i32
    %dma_wait3A = arith.constant 0 : i32
    %dma_wait3A_38 = arith.constant 0 : i32
    %dma_wait3A_39 = arith.constant 0 : i32
    %dma_wait3A_40 = arith.constant 0 : i32
    %dma_wait3A_41 = tpu.memref_slice %arg6[%dma_wait3A, %dma_wait3A_39, %dma_wait3A_40] : memref<2x512x64xf32, #tpu.memory_space<vmem>> -> memref<1x512x64xf32, #tpu.memory_space<vmem>>
    %dma_wait3A_42 = tpu.memref_squeeze %dma_wait3A_41 : memref<1x512x64xf32, #tpu.memory_space<vmem>> -> memref<512x64xf32, #tpu.memory_space<vmem>>
    %dma_wait3A_43 = arith.constant 0 : i32
    %dma_wait3A_44 = tpu.memref_slice %arg4[%mul3A_2, %dma_wait3A_43] : memref<819200x64xf32, #tpu.memory_space<hbm>> -> memref<512x64xf32, #tpu.memory_space<hbm>>
    %dma_wait3A_45 = tpu.memref_slice %arg8[%dma_wait3A_38] : memref<2x!tpu.dma_semaphore, #tpu.memory_space<semaphore_mem>> -> memref<1x!tpu.dma_semaphore, #tpu.memory_space<semaphore_mem>>
    %dma_wait3A_46 = tpu.memref_squeeze %dma_wait3A_45 : memref<1x!tpu.dma_semaphore, #tpu.memory_space<semaphore_mem>> -> memref<!tpu.dma_semaphore, #tpu.memory_space<semaphore_mem>>
    %dma_wait3A_47 = arith.constant 0 : i32
    %dma_wait3A_48 = tpu.memref_slice %arg4[%mul3A_2, %dma_wait3A_47] : memref<819200x64xf32, #tpu.memory_space<hbm>> -> memref<512x64xf32, #tpu.memory_space<hbm>>
    %dma_wait3A_49 = arith.constant 0 : i32
    %dma_wait3A_50 = arith.constant 0 : i32
    %dma_wait3A_51 = tpu.memref_slice %arg6[%dma_wait3A, %dma_wait3A_49, %dma_wait3A_50] : memref<2x512x64xf32, #tpu.memory_space<vmem>> -> memref<1x512x64xf32, #tpu.memory_space<vmem>>
    %dma_wait3A_52 = tpu.memref_squeeze %dma_wait3A_51 : memref<1x512x64xf32, #tpu.memory_space<vmem>> -> memref<512x64xf32, #tpu.memory_space<vmem>>
    tpu.wait_dma2 semaphore(%dma_wait3A_46 : memref<!tpu.dma_semaphore, #tpu.memory_space<semaphore_mem>>) src(%dma_wait3A_52 : memref<512x64xf32, #tpu.memory_space<vmem>>) dst(%dma_wait3A_48 : memref<512x64xf32, #tpu.memory_space<hbm>>)
    %dma_wait3A_53 = arith.constant 1 : i32
    %dma_wait3A_54 = arith.constant 1 : i32
    %dma_wait3A_55 = arith.constant 0 : i32
    %dma_wait3A_56 = arith.constant 0 : i32
    %dma_wait3A_57 = tpu.memref_slice %arg6[%dma_wait3A_53, %dma_wait3A_55, %dma_wait3A_56] : memref<2x512x64xf32, #tpu.memory_space<vmem>> -> memref<1x512x64xf32, #tpu.memory_space<vmem>>
    %dma_wait3A_58 = tpu.memref_squeeze %dma_wait3A_57 : memref<1x512x64xf32, #tpu.memory_space<vmem>> -> memref<512x64xf32, #tpu.memory_space<vmem>>
    %dma_wait3A_59 = arith.constant 0 : i32
    %dma_wait3A_60 = tpu.memref_slice %arg4[%mul3A_2, %dma_wait3A_59] : memref<819200x64xf32, #tpu.memory_space<hbm>> -> memref<512x64xf32, #tpu.memory_space<hbm>>
    %dma_wait3A_61 = tpu.memref_slice %arg8[%dma_wait3A_54] : memref<2x!tpu.dma_semaphore, #tpu.memory_space<semaphore_mem>> -> memref<1x!tpu.dma_semaphore, #tpu.memory_space<semaphore_mem>>
    %dma_wait3A_62 = tpu.memref_squeeze %dma_wait3A_61 : memref<1x!tpu.dma_semaphore, #tpu.memory_space<semaphore_mem>> -> memref<!tpu.dma_semaphore, #tpu.memory_space<semaphore_mem>>
    %dma_wait3A_63 = arith.constant 0 : i32
    %dma_wait3A_64 = tpu.memref_slice %arg4[%mul3A_2, %dma_wait3A_63] : memref<819200x64xf32, #tpu.memory_space<hbm>> -> memref<512x64xf32, #tpu.memory_space<hbm>>
    %dma_wait3A_65 = arith.constant 0 : i32
    %dma_wait3A_66 = arith.constant 0 : i32
    %dma_wait3A_67 = tpu.memref_slice %arg6[%dma_wait3A_53, %dma_wait3A_65, %dma_wait3A_66] : memref<2x512x64xf32, #tpu.memory_space<vmem>> -> memref<1x512x64xf32, #tpu.memory_space<vmem>>
    %dma_wait3A_68 = tpu.memref_squeeze %dma_wait3A_67 : memref<1x512x64xf32, #tpu.memory_space<vmem>> -> memref<512x64xf32, #tpu.memory_space<vmem>>
    tpu.wait_dma2 semaphore(%dma_wait3A_62 : memref<!tpu.dma_semaphore, #tpu.memory_space<semaphore_mem>>) src(%dma_wait3A_68 : memref<512x64xf32, #tpu.memory_space<vmem>>) dst(%dma_wait3A_64 : memref<512x64xf32, #tpu.memory_space<hbm>>)
    return
  }
}

module attributes {stable_mosaic.version = 14 : i64} {
  func.func @body(%arg0: i32, %arg1: memref<64x1024xf32, #tpu.memory_space<vmem>>, %arg2: memref<64x1024xf32, #tpu.memory_space<vmem>>, %arg3: memref<1024x128xf32, #tpu.memory_space<vmem>>) attributes {dimension_semantics = [#tpu.dimension_semantics<arbitrary>], iteration_bounds = array<i64: 489>, scalar_prefetch = 0 : i64, scratch_operands = 0 : i64, tpu.core_type = #tpu.core_type<tc>, window_params = [{transform_indices = @transform_0, window_bounds = array<i64: 64, 1024>}, {transform_indices = @transform_1, window_bounds = array<i64: 64, 1024>}, {transform_indices = @transform_2, window_bounds = array<i64: 1024, 128>}]} {
    %get3A = arith.constant 0 : index
    %get3A_0 = arith.constant 0 : index
    %get3A_1 = vector.load %arg1[%get3A, %get3A_0] : memref<64x1024xf32, #tpu.memory_space<vmem>>, vector<64x1024xf32>
    %transpose3A = tpu.transpose %get3A_1, [1, 0] : vector<64x1024xf32> -> vector<1024x64xf32>
    %swap3A = arith.constant 0 : index
    %swap3A_2 = arith.constant 0 : index
    %swap3A_3 = vector.load %arg3[%swap3A, %swap3A_2] : memref<1024x128xf32, #tpu.memory_space<vmem>>, vector<1024x64xf32>
    tpu.vector_store %arg3[%swap3A, %swap3A_2], %transpose3A {strides = array<i32>} : memref<1024x128xf32, #tpu.memory_space<vmem>>, vector<1024x64xf32>,
    %get3A_4 = arith.constant 0 : index
    %get3A_5 = arith.constant 0 : index
    %get3A_6 = vector.load %arg2[%get3A_4, %get3A_5] : memref<64x1024xf32, #tpu.memory_space<vmem>>, vector<64x1024xf32>
    %transpose3A_7 = tpu.transpose %get3A_6, [1, 0] : vector<64x1024xf32> -> vector<1024x64xf32>
    %swap3A_8 = arith.constant 0 : index
    %swap3A_9 = arith.constant 64 : index
    %swap3A_10 = vector.load %arg3[%swap3A_8, %swap3A_9] : memref<1024x128xf32, #tpu.memory_space<vmem>>, vector<1024x64xf32>
    tpu.vector_store %arg3[%swap3A_8, %swap3A_9], %transpose3A_7 {strides = array<i32>} : memref<1024x128xf32, #tpu.memory_space<vmem>>, vector<1024x64xf32>,
    return
  }
  func.func @transform_0(%arg0: i32) -> (i32, i32) {
    %mul3A = arith.constant 2 : i32
    %mul3A_0 = arith.muli %mul3A, %arg0 : i32
    %c0_i32 = arith.constant 0 : i32
    %c0_i32_1 = arith.constant 0 : i32
    return %c0_i32, %mul3A_0 : i32, i32
  }
  func.func @transform_1(%arg0: i32) -> (i32, i32) {
    %mul3A = arith.constant 2 : i32
    %mul3A_0 = arith.muli %mul3A, %arg0 : i32
    %add3A = arith.constant 1 : i32
    %add3A_1 = arith.addi %mul3A_0, %add3A : i32
    %min3A = arith.constant 975 : i32
    %min3A_2 = arith.minsi %add3A_1, %min3A : i32
    %c0_i32 = arith.constant 0 : i32
    %c0_i32_3 = arith.constant 0 : i32
    return %c0_i32, %min3A_2 : i32, i32
  }
  func.func @transform_2(%arg0: i32) -> (i32, i32) {
    %c0_i32 = arith.constant 0 : i32
    %c0_i32_0 = arith.constant 0 : i32
    return %arg0, %c0_i32 : i32, i32
  }
}

</mosaic_0001>

<sc_bundles>
// kernel: kernel.4.cloned.1.call-start
scs
__scs_entry_jumppad:
0x0: {  	(pc) =	sbr.rel $0x88, $3  }
0x1: {  	(tag) =	ssettag $0x0;
	lr =	simm.s32 $0x1  }
0x2: {  	[smem:$0x3F9F] =	sst lr;
	_ =	strace $0xD0000000  }
0x3: {  	_ = 	snop  }
0x4: {  	_ = 	snop  }
0x5: {  	_ = 	snop  }
0x6: {  	_ = 	snop  }
0x7: {  	_ = 	snop  }
__scs_overlays_trampoline_lowered:
0x8: {  	[smem:$0x3FAE] =	sst s0  }
0x9: {  	[smem:$0x3FAF] =	sst s1  }
0xa: {  	[smem:$0x3FB0] =	sst s2  }
0xb: {  	[smem:$0x3FB1] =	sst s3  }
0xc: {  	[smem:$0x3FB2] =	sst s4  }
0xd: {  	[smem:$0x3FB3] =	sst s5  }
0xe: {  	[smem:$0x3FB4] =	sst s6  }
0xf: {  	[smem:$0x3FB5] =	sst s7  }
0x10: {  	[smem:$0x3FB6] =	sst s8  }
0x11: {  	[smem:$0x3FB7] =	sst s9;
	s0 =	simm.s32 @!p0 $0x0  }
0x12: {  	s1 =	sld [smem:$0x3F9D];
	s0 =	simm.s32 @p0 $0x1  }
0x13: {  	[smem:$0x3FB8] =	sst s0;
	s0 =	simm.s32 @!p1 $0x0  }
0x14: {  	s2 =	sld [smem:$0x3F9C];
	s0 =	simm.s32 @p1 $0x1  }
0x15: {  	[smem:$0x3FB9] =	sst s0;
	s0 =	simm.s32 @!p2 $0x0  }
0x16: {  	s3 =	sld [smem:$0x3FDB];
	s0 =	simm.s32 @p2 $0x1  }
0x17: {  	s4 =	simm.s32 $0x1BF5;
	[smem:$0x3FBB] =	sst s0  }
0x18: {  	s0 =	sld [smem:$0x3F9E];
	_ =	swait.ge [sflag:s4], $0x0  }
0x19: {  	s7 =	sld [smem:$0x3F9F]  }
0x1a: {  	s8 =	sadd.s32 $0xFFFFE003, lr  }
0x1b: {  	s9 =	sadd.s32 $0xFFFFFEF7, lr;
	s5 =	simm.s32 $0xFFFFFFFF;
	p2 =	slt.u32 s8, $0xFFFFF086  }
0x1c: {  	p1 =	slt.u32 s9, $0xF7A;
	s5 =	simm.s32 @!p2 $0x0  }
0x1d: {  	s5 =	simm.s32 @p1 $0x1;
	p0 =	seq.s32 s7, s2  }
0x1e: {  	s7 =	smul.u32 @!p0 $0xF7A, s2;
	p2 =	seq.s32 @!p0 s5, $0x0  }
0x1f: {  	s9 =	smul.u32 $0xF7A, s1;
	s8 =	simm.s32 @!p0 $0x1BF5;
	p2 =	por !p2, p0  }
0x20: {  	[sflag:s8] =	ssyncset.s32 @!p0 $0xFFFFF086;
	s6 =	sadd.s32 @!p0 s3, s7;
	s7 =	simm.s32 @!p0 $0x108  }
0x21: {  	s3 =	sadd.s32 s3, s9;
	s6 =	sadd.s32 @!p0 $0x88, s6;
	s7 =	simm.s32 @p2 $0x1082  }
0x22: {  	[simem:s7], [sflag:s8] =	dma.local @!p0 [hbm:s6], $0xF7A  }
0x23: {  	s9 =	sor.u32 $0xD0000000, s2;
	s6 =	simm.s32 $0x108;
	_ =	swait.ge @!p0 [sflag:s8], $0x0  }
0x24: {  	s3 =	sadd.s32 $0x88, s3;
	s6 =	simm.s32 @!p1 $0x1082;
	[sflag:s4] =	ssyncset.s32 $0xFFFFF086  }
0x25: {  	[simem:s6], [sflag:s4] =	dma.local [hbm:s3], $0xF7A  }
0x26: {  	[smem:$0x3F9F] =	sst s1;
	(tag) =	ssettag s2;
	_ =	strace s9  }
0x27: {  	s1 =	sld [smem:$0x3FAF]  }
0x28: {  	s2 =	sld [smem:$0x3FB0]  }
0x29: {  	s4 =	sld [smem:$0x3FB2]  }
0x2a: {  	p0 =	seq.s32 s5, $0x0;
	s5 =	sld [smem:$0x3FB3]  }
0x2b: {  	s6 =	sld [smem:$0x3FB4]  }
0x2c: {  	s7 =	sld [smem:$0x3FB5]  }
0x2d: {  	s3 =	simm.s32 $0x108;
	s8 =	sld [smem:$0x3FB6]  }
0x2e: {  	s3 =	simm.s32 @!p0 $0x1082;
	s9 =	sld [smem:$0x3FB7]  }
0x2f: {  	lr =	sadd.s32 s0, s3;
	s0 =	sld [smem:$0x3FAE]  }
0x30: {  	s3 =	sld [smem:$0x3FB1]  }
0x31: {  	[smem:$0x3FBA] =	sst s10  }
0x32: {  	s10 =	sld [smem:$0x3FB8];
	_ =	sdelay $0x3  }
0x33: {  	p0 =	seq.s32 s10, $0x1;
	s10 =	sld [smem:$0x3FBA];
	_ =	sdelay $0x3  }
0x34: {  	[smem:$0x3FBA] =	sst s10  }
0x35: {  	s10 =	sld [smem:$0x3FB9];
	_ =	sdelay $0x3  }
0x36: {  	p1 =	seq.s32 s10, $0x1;
	s10 =	sld [smem:$0x3FBA];
	_ =	sdelay $0x3  }
0x37: {  	[smem:$0x3FBA] =	sst s10  }
0x38: {  	s10 =	sld [smem:$0x3FBB]  }
0x39: {  	_ = 	snop;
	(pc) =	sbr.ind lr, $3  }
0x3a: {  	_ = 	snop  }
0x3b: {  	_ = 	snop  }
0x3c: {  	p2 =	seq.s32 s10, $0x1;
	s10 =	sld [smem:$0x3FBA]  }
0x3d: {  	_ =	shalt  }
0x3e: {  	_ =	shalt  }
0x3f: {  	_ =	shalt  }
0x40: {  	_ =	shalt  }
0x41: {  	_ =	shalt  }
0x42: {  	_ =	shalt  }
0x43: {  	_ =	shalt  }
0x44: {  	_ =	shalt  }
0x45: {  	_ =	shalt  }
0x46: {  	_ =	shalt  }
0x47: {  	_ =	shalt  }
0x48: {  	_ =	shalt  }
0x49: {  	_ =	shalt  }
0x4a: {  	_ =	shalt  }
0x4b: {  	_ =	shalt  }
0x4c: {  	_ =	shalt  }
0x4d: {  	_ =	shalt  }
0x4e: {  	_ =	shalt  }
0x4f: {  	_ =	shalt  }
0x50: {  	_ =	shalt  }
0x51: {  	_ =	shalt  }
0x52: {  	_ =	shalt  }
0x53: {  	_ =	shalt  }
0x54: {  	_ =	shalt  }
0x55: {  	_ =	shalt  }
0x56: {  	_ =	shalt  }
0x57: {  	_ =	shalt  }
0x58: {  	_ =	shalt  }
0x59: {  	_ =	shalt  }
0x5a: {  	_ =	shalt  }
0x5b: {  	_ =	shalt  }
0x5c: {  	_ =	shalt  }
0x5d: {  	_ =	shalt  }
0x5e: {  	_ =	shalt  }
0x5f: {  	_ =	shalt  }
0x60: {  	_ =	shalt  }
0x61: {  	_ =	shalt  }
0x62: {  	_ =	shalt  }
0x63: {  	_ =	shalt  }
0x64: {  	_ =	shalt  }
0x65: {  	_ =	shalt  }
0x66: {  	_ =	shalt  }
0x67: {  	_ =	shalt  }
0x68: {  	_ =	shalt  }
0x69: {  	_ =	shalt  }
0x6a: {  	_ =	shalt  }
0x6b: {  	_ =	shalt  }
0x6c: {  	_ =	shalt  }
0x6d: {  	_ =	shalt  }
0x6e: {  	_ =	shalt  }
0x6f: {  	_ =	shalt  }
0x70: {  	_ =	shalt  }
0x71: {  	_ =	shalt  }
0x72: {  	_ =	shalt  }
0x73: {  	_ =	shalt  }
0x74: {  	_ =	shalt  }
0x75: {  	_ =	shalt  }
0x76: {  	_ =	shalt  }
0x77: {  	_ =	shalt  }
0x78: {  	_ =	shalt  }
0x79: {  	_ =	shalt  }
0x7a: {  	_ =	shalt  }
0x7b: {  	_ =	shalt  }
0x7c: {  	_ =	shalt  }
0x7d: {  	_ =	shalt  }
0x7e: {  	_ =	shalt  }
0x7f: {  	_ =	shalt  }
0x80: {  	_ =	shalt  }
0x81: {  	_ =	shalt  }
0x82: {  	_ =	shalt  }
0x83: {  	_ =	shalt  }
0x84: {  	_ =	shalt  }
0x85: {  	_ =	shalt  }
0x86: {  	_ =	shalt  }
0x87: {  	_ =	shalt  }
.Lfunc_end0:
.L_simem_size_0:
called_computation.1_lowered:
.L_overlay_start_0:
0x88: {  	s2 =	sld [smem:$0x3FD9]  }
0x89: {  	s3 =	sld [smem:$0x3FFE];
	_ =	sdelay $0x1  }
0x8a: {  	s1 =	srdreg.scid  }
0x8b: {  	s0 =	sand.u32 $0x1, s1  }
0x8c: {  	s17 =	sshll.u32 s0, $0xA;
	s2 =	sadd.s32 s3, s2  }
0x8d: {  	s2 =	sadd.s32 s2, s17  }
0x8e: {  	[smem:$0x3FC6] =	sst s2  }
0x8f: {  	_ = 	snop  }
0x90: {  	s2 =	sld [smem:$0x3FD0];
	(tm) =	ssettm $0x1  }
0x91: {  	s18 =	sld [smem:$0x3FFB];
	_ =	sdelay $0x3  }
0x92: {  	_ =	strace s18  }
0x93: {  	s3 =	sld [smem:$0x3FFC];
	_ =	sdelay $0x3  }
0x94: {  	_ =	strace s3  }
0x95: {  	s3 =	sld [smem:$0x3FFD];
	_ =	sdelay $0x3  }
0x96: {  	_ =	strace s3  }
0x97: {  	_ =	strace $0x8FFFFFFF  }
0x98: {  	s19 =	sld [smem:$0x3FDB];
	_ =	sdelay $0x1  }
0x99: {  	s4 =	simm.s32 $_scs_section_size  }
0x9a: {  	s5 =	simm.s32 $_size__tile_overlayer_lowered;
	s6 =	simm.s32 $_tile_overlayer_lowered  }
0x9b: {  	s22 =	simm.s32 $0x1BFF;
	s21 =	sshll.u32 s6, $0x1;
	s3 =	sadd.s32 s4, s19  }
0x9c: {  	s7 =	simm.s32 $0x0;
	s20 =	sshll.u32 s5, $0x1;
	s5 =	sadd.s32 s21, s3  }
0x9d: {  	[timem:s7], [sflag:s22] =	dma.local [hbm:s5], s20  }
0x9e: {  	_ =	swait.ge [sflag:s22], s20  }
0x9f: {  	s4 =	ssub.s32 $0x0, s20;
	[sflag:s22] =	ssyncset.done $0x0  }
0xa0: {  	[sflag:s22] =	ssyncadd.s32 s4;
	_ =	sdelay $0x1  }
0xa1: {  	s23 =	simm.s32 $0x1B8B  }
0xa2: {  	_ =	swait.ge [sflag:s23], $0x1  }
0xa3: {  	[sflag:s23] =	ssyncset.done $0x0  }
0xa4: {  	s25 =	simm.s32 $0x1B8E;
	s24 =	sld [smem:$0x3FFE];
	[sflag:s23] =	ssyncadd.s32 $0xFFFFFFFF  }
0xa5: {  	s26 =	simm.s32 $execute0_lowered;
	[smem:$0x3FD2] =	sst s25  }
0xa6: {  	s5 =	sshll.u32 s26, $0x1;
	_ =	strace $0x80000046;
	[dreg:$0x1] =	wrdreg $0xFFFFFFFF  }
0xa7: {  	s28 =	simm.s32 $_size_execute0_lowered;
	s3 =	sadd.s32 s3, s5;
	[dreg:$0x0] =	wrdreg $0x0  }
0xa8: {  	s5 =	sshll.u32 s28, $0x1;
	[dreg:$0x2] =	wrdreg s3  }
0xa9: {  	[dreg:$0x3] =	wrdreg s5  }
0xaa: {  	[dreg:$0x4] =	wrdreg $0xC0  }
0xab: {  	_ =	task [dreg:s7], $0x5FFFF  }
0xac: {  	[dreg:$0x1] =	wrdreg $0xFFFFFFFF  }
0xad: {  	[dreg:$0x0] =	wrdreg $0x60  }
0xae: {  	[dreg:$0x2] =	wrdreg s24  }
0xaf: {  	[dreg:$0x3] =	wrdreg s2  }
0xb0: {  	[dreg:$0x4] =	wrdreg $0x9  }
0xb1: {  	_ =	task.clear_ibuf [dreg:s7], $0x5FFFF;
	_ =	strace $0x90000046  }
0xb2: {  	s29 =	simm.s32 $0x9;
	_ =	strace $0x80000048  }
0xb3: {  	_ =	swait.ge [sflag:s29], $0x1  }
0xb4: {  	[sflag:s29] =	ssyncadd.s32 $0xFFFFFFFF  }
0xb5: {  	_ =	strace $0x90000048  }
0xb6: {  	_ =	sfence  }
0xb7: {  	s30 =	sld [smem:$0x0];
	_ =	sdelay $0x2  }
0xb8: {  	s31 =	sshll.u32 s1, $0xD;
	s1 =	sshrl.u32 s1, $0x2  }
0xb9: {  	s3 =	sand.u32 $0x4000, s31;
	s1 =	sadd.s32 s1, s30  }
0xba: {  	s0 =	sor.u32 s3, s0;
	s1 =	sshll.u32 s1, $0x11  }
0xbb: {  	s0 =	sor.u32 s1, s0  }
0xbc: {  	s0 =	sadd.s32 $0x8F2B, s0  }
0xbd: {  	[sflag:s0] =	ssyncadd.remote.s32 $0x1  }
0xbe: {  	_ =	sfence.sel $0xFFFF  }
0xbf: {  	[dreg:$0x0] =	wrdreg $0xFFFFFFFF;
	(pc) =	sbr.abs _section_cstart, $3  }
0xc0: {  	[dreg:$0x1] =	wrdreg $0xFFFFFFFF  }
0xc1: {  	_ =	task.clear_ibuf [dreg:s7], $0x2FFFF;
	_ =	strace $0x9FFFFFFF  }
0xc2: {  	(tm) =	ssettm $0x7FFFFFFF  }
0xc3: {  	_ =	shalt  }
tec
execute0_lowered:
.L_overlay_start_1:
0x0: {  	(tag) =	ssettag $0x1  }
0x1: {  	s0 =	rddreg [dreg:$0x0]  }
0x2: {  	s1 =	srdreg.scid;
	s8 =	stileid.u32  }
0x3: {  	s2 =	rddreg [dreg:$0x1];
	s3 =	simm.s32 $0x0;
	s13 =	simm.s32 $0x5  }
0x4: {  	s14 =	simm.s32 $0x100;
	s15 =	simm.s32 $0x6400;
	s16 =	simm.s32 $0xA400  }
0x5: {  	s18 =	simm.s32 $0xE400;
	s20 =	simm.s32 $0x12400;
	s21 =	simm.s32 $0x1  }
0x6: {  	s22 =	simm.s32 $0x3;
	s28 =	simm.s32 $0x6200;
	s29 =	simm.s32 $0x6300  }
0x7: {  	s1 =	sand.u32 $0x1, s1;
	s4 =	sshll.u32 s8, $0x1;
	s8 =	smul.u32 $0x320000, s8  }
0x8: {  	s4 =	sor.u32 s1, s4;
	s7 =	ssub.s32 $0x2, s1;
	s1 =	smul.u32 $0x190000, s1  }
0x9: {  	s30 =	simm.s32 $0x0;
	[smem:$0x7FF] =	sst s3;
	s5 =	smul.u32 $0xC80, s4  }
0xa: {  	_ =	strace $0x80000047;
	s6 =	smul.u32 $0x190000, s4;
	s24 =	sshrl.u32 s7, $0x1  }
0xb: {  	s4 =	sadd.s32 $0x19800, s0;
	s7 =	ssub.s32 s7, s24;
	s26 =	sadd.s32 s1, s8  }
0xc: {  	s24 =	simm.s32 $0x500;
	s0 =	sadd.s32 s5, s0;
	s25 =	sshrl.u32 s6, $0x3  }
0xd: {  	s6 =	smax.u32 s7, $0x1;
	s1 =	sadd.s32 $0x18000, s26;
	s11 =	sadd.s32 $0x10000, s26  }
0xe: {  	s26 =	simm.s32 $0x4;
	s5 =	sadd.s32 $0x800, s0;
	s7 =	sadd.s32 s2, s25  }
0xf: {  	s31 =	sshrl.u32 s1, $0x3;
	s25 =	simm.s32 $0x2;
	s8 =	sadd.s32 $0x1000, s7  }
0x10: {  	s9 =	sadd.s32 $0x30000, s7;
	s10 =	sadd.s32 $0x31000, s7;
	s17 =	sadd.s32 s31, s2  }
.LBB2_1:
0x11: {  	[tilespmem:s3], [sflag:$0x5] =	stream.linear.gather [hbm4b:s5+s3], $0x6400, $0x38;
	[tilespmem:$0x16400] =	vst v63  }
0x12: {  	_ =	swait.ge [sflag:s13], $0x6400  }
0x13: {  	[sflag:s13] =	ssyncset.done $0x0  }
0x14: {  	[sflag:s13] =	ssyncadd.s32 $0xFFFF9C00  }
0x15: {  	[tilespmem:s15], [sflag:$0x1] =	stream.indirect.gather [hbm4b:s4+s14], $0x40, s3, s14, $0xb8;
	[tilespmem:$0x16400] =	vst v63  }
0x16: {  	_ = 	snop  }
0x17: {  	[tilespmem:s16], [sflag:$0x1] =	stream.indirect.gather [hbm4b:s4+s14], $0x40, s14, s14, $0xb8;
	[tilespmem:$0x16400] =	vst v63  }
0x18: {  	s0 =	simm.s32 $0x200  }
0x19: {  	[tilespmem:s18], [sflag:$0x2] =	stream.indirect.gather [hbm4b:s4+s14], $0x40, s0, s14, $0xb8;
	[tilespmem:$0x16400] =	vst v63  }
0x1a: {  	s12 =	simm.s32 $0x300  }
0x1b: {  	[tilespmem:s20], [sflag:$0x2] =	stream.indirect.gather [hbm4b:s4+s14], $0x40, s12, s14, $0xb8;
	[tilespmem:$0x16400] =	vst v63  }
0x1c: {  	_ =	swait.ge [sflag:s21], $0x4000  }
0x1d: {  	[sflag:s21] =	ssyncset.done $0x0  }
0x1e: {  	[sflag:s21] =	ssyncadd.s32 $0xFFFFC000  }
0x1f: {  	_ =	swait.ge [sflag:s21], $0x4000  }
0x20: {  	[sflag:s21] =	ssyncset.done $0x0  }
0x21: {  	[sflag:s21] =	ssyncadd.s32 $0xFFFFC000  }
0x22: {  	[hbm4b:s7+s3] =	stream.linear.scatter [tilespmem:s15], [sflag:$0x3], $0x8000, $0x38;
	[tilespmem:$0x16400] =	vst v63  }
0x23: {  	_ =	swait.ge [sflag:s22], $0x8000  }
0x24: {  	[sflag:s22] =	ssyncset.done $0x0  }
0x25: {  	s19 =	simm.s32 $0x400;
	[sflag:s22] =	ssyncadd.s32 $0xFFFF8000  }
0x26: {  	[tilespmem:s15], [sflag:$0x1] =	stream.indirect.gather [hbm4b:s4+s14], $0x40, s19, s14, $0xb8;
	[tilespmem:$0x16400] =	vst v63  }
0x27: {  	_ = 	snop  }
0x28: {  	[tilespmem:s16], [sflag:$0x1] =	stream.indirect.gather [hbm4b:s4+s14], $0x40, s24, s14, $0xb8;
	[tilespmem:$0x16400] =	vst v63  }
0x29: {  	_ =	swait.ge [sflag:s25], $0x4000  }
0x2a: {  	[sflag:s25] =	ssyncset.done $0x0  }
0x2b: {  	[sflag:s25] =	ssyncadd.s32 $0xFFFFC000  }
0x2c: {  	_ =	swait.ge [sflag:s25], $0x4000  }
0x2d: {  	[sflag:s25] =	ssyncset.done $0x0  }
0x2e: {  	[sflag:s25] =	ssyncadd.s32 $0xFFFFC000  }
0x2f: {  	[hbm4b:s8+s3] =	stream.linear.scatter [tilespmem:s18], [sflag:$0x4], $0x8000, $0x38;
	[tilespmem:$0x16400] =	vst v63  }
0x30: {  	_ =	swait.ge [sflag:s26], $0x8000  }
0x31: {  	[sflag:s26] =	ssyncset.done $0x0  }
0x32: {  	s23 =	simm.s32 $0x600;
	[sflag:s26] =	ssyncadd.s32 $0xFFFF8000  }
0x33: {  	[tilespmem:s18], [sflag:$0x2] =	stream.indirect.gather [hbm4b:s4+s14], $0x40, s23, s14, $0xb8;
	[tilespmem:$0x16400] =	vst v63  }
0x34: {  	s1 =	simm.s32 $0x700  }
0x35: {  	[tilespmem:s20], [sflag:$0x2] =	stream.indirect.gather [hbm4b:s4+s14], $0x40, s1, s14, $0xb8;
	[tilespmem:$0x16400] =	vst v63  }
0x36: {  	_ =	swait.ge [sflag:s21], $0x4000  }
0x37: {  	[sflag:s21] =	ssyncset.done $0x0  }
0x38: {  	[sflag:s21] =	ssyncadd.s32 $0xFFFFC000  }
0x39: {  	_ =	swait.ge [sflag:s21], $0x4000  }
0x3a: {  	s12 =	sshrl.u32 s11, $0x3;
	[sflag:s21] =	ssyncset.done $0x0  }
0x3b: {  	s0 =	sadd.s32 s2, s12;
	[sflag:s21] =	ssyncadd.s32 $0xFFFFC000  }
0x3c: {  	[hbm4b:s0+s3] =	stream.linear.scatter [tilespmem:s15], [sflag:$0x3], $0x8000, $0x38;
	[tilespmem:$0x16400] =	vst v63  }
0x3d: {  	_ =	swait.ge [sflag:s22], $0x8000  }
0x3e: {  	[sflag:s22] =	ssyncset.done $0x0  }
0x3f: {  	s19 =	simm.s32 $0x800;
	[sflag:s22] =	ssyncadd.s32 $0xFFFF8000  }
0x40: {  	[tilespmem:s15], [sflag:$0x1] =	stream.indirect.gather [hbm4b:s4+s14], $0x40, s19, s14, $0xb8;
	[tilespmem:$0x16400] =	vst v63  }
0x41: {  	s23 =	simm.s32 $0x900  }
0x42: {  	[tilespmem:s16], [sflag:$0x1] =	stream.indirect.gather [hbm4b:s4+s14], $0x40, s23, s14, $0xb8;
	[tilespmem:$0x16400] =	vst v63  }
0x43: {  	_ =	swait.ge [sflag:s25], $0x4000  }
0x44: {  	[sflag:s25] =	ssyncset.done $0x0  }
0x45: {  	[sflag:s25] =	ssyncadd.s32 $0xFFFFC000  }
0x46: {  	_ =	swait.ge [sflag:s25], $0x4000  }
0x47: {  	s31 =	simm.s32 $0x1000;
	s12 =	smov.u32 s17;
	[sflag:s25] =	ssyncset.done $0x0  }
0x48: {  	s1 =	sadd.s32 $0x10000, s11;
	s0 =	sadd.s32 $0x2000, s17;
	[sflag:s25] =	ssyncadd.s32 $0xFFFFC000  }
.LBB2_2:
0x49: {  	[hbm4b:s12+s3] =	stream.linear.scatter [tilespmem:s18], [sflag:$0x4], $0x8000, $0x38;
	[tilespmem:$0x16400] =	vst v63  }
0x4a: {  	s19 =	smov.u32 s31;
	s12 =	smov.u32 s0  }
0x4b: {  	p0 =	sne.s32 s31, $0x16000;
	s31 =	sadd.s32 $0x1000, s31;
	_ =	swait.ge [sflag:s26], $0x8000  }
0x4c: {  	s19 =	sshra.s32 s19, $0x2;
	[sflag:s26] =	ssyncset.done $0x0  }
0x4d: {  	s23 =	sadd.s32 $0x600, s19;
	[sflag:s26] =	ssyncadd.s32 $0xFFFF8000  }
0x4e: {  	[tilespmem:s18], [sflag:$0x2] =	stream.indirect.gather [hbm4b:s4+s14], $0x40, s23, s14, $0xb8;
	[tilespmem:$0x16400] =	vst v63  }
0x4f: {  	s23 =	sadd.s32 $0x700, s19  }
0x50: {  	[tilespmem:s20], [sflag:$0x2] =	stream.indirect.gather [hbm4b:s4+s14], $0x40, s23, s14, $0xb8;
	[tilespmem:$0x16400] =	vst v63  }
0x51: {  	_ =	swait.ge [sflag:s21], $0x4000  }
0x52: {  	[sflag:s21] =	ssyncset.done $0x0  }
0x53: {  	[sflag:s21] =	ssyncadd.s32 $0xFFFFC000  }
0x54: {  	_ =	swait.ge [sflag:s21], $0x4000  }
0x55: {  	s23 =	sshrl.u32 s1, $0x3;
	[sflag:s21] =	ssyncset.done $0x0  }
0x56: {  	s23 =	sadd.s32 s2, s23;
	[sflag:s21] =	ssyncadd.s32 $0xFFFFC000  }
0x57: {  	[hbm4b:s23+s3] =	stream.linear.scatter [tilespmem:s15], [sflag:$0x3], $0x8000, $0x38;
	[tilespmem:$0x16400] =	vst v63  }
0x58: {  	_ =	swait.ge [sflag:s22], $0x8000  }
0x59: {  	[sflag:s22] =	ssyncset.done $0x0  }
0x5a: {  	s23 =	sadd.s32 $0x800, s19;
	[sflag:s22] =	ssyncadd.s32 $0xFFFF8000  }
0x5b: {  	[tilespmem:s15], [sflag:$0x1] =	stream.indirect.gather [hbm4b:s4+s14], $0x40, s23, s14, $0xb8;
	[tilespmem:$0x16400] =	vst v63  }
0x5c: {  	s19 =	sadd.s32 $0x900, s19  }
0x5d: {  	[tilespmem:s16], [sflag:$0x1] =	stream.indirect.gather [hbm4b:s4+s14], $0x40, s19, s14, $0xb8;
	[tilespmem:$0x16400] =	vst v63  }
0x5e: {  	_ =	swait.ge [sflag:s25], $0x4000  }
.Ltmp0:
0x5f: {  	[sflag:s25] =	ssyncset.done $0x0;
	(pc) =	sbr.rel @p0 .LBB2_2-.Ltmp0, $4  }
0x60: {  	[sflag:s25] =	ssyncadd.s32 $0xFFFFC000  }
0x61: {  	_ =	swait.ge [sflag:s25], $0x4000  }
0x62: {  	[sflag:s25] =	ssyncset.done $0x0  }
0x63: {  	s0 =	sadd.s32 $0x2000, s0;
	s1 =	sadd.s32 $0x10000, s1;
	[sflag:s25] =	ssyncadd.s32 $0xFFFFC000  }
0x64: {  	[hbm4b:s12+s3] =	stream.linear.scatter [tilespmem:s18], [sflag:$0x4], $0x8000, $0x38;
	[tilespmem:$0x16400] =	vst v63  }
0x65: {  	_ =	swait.ge [sflag:s26], $0x8000  }
0x66: {  	[sflag:s26] =	ssyncset.done $0x0  }
0x67: {  	[sflag:s26] =	ssyncadd.s32 $0xFFFF8000  }
0x68: {  	[tilespmem:s18], [sflag:$0x2] =	stream.indirect.gather [hbm4b:s4+s14], $0x40, s28, s14, $0xb8;
	[tilespmem:$0x16400] =	vst v63  }
0x69: {  	_ = 	snop  }
0x6a: {  	[tilespmem:s20], [sflag:$0x2] =	stream.indirect.gather [hbm4b:s4+s14], $0x40, s29, s14, $0xb8;
	[tilespmem:$0x16400] =	vst v63  }
0x6b: {  	_ =	swait.ge [sflag:s21], $0x4000  }
0x6c: {  	[sflag:s21] =	ssyncset.done $0x0  }
0x6d: {  	[sflag:s21] =	ssyncadd.s32 $0xFFFFC000  }
0x6e: {  	_ =	swait.ge [sflag:s21], $0x4000  }
0x6f: {  	[sflag:s21] =	ssyncset.done $0x0  }
0x70: {  	[sflag:s21] =	ssyncadd.s32 $0xFFFFC000  }
0x71: {  	[hbm4b:s9+s3] =	stream.linear.scatter [tilespmem:s15], [sflag:$0x3], $0x8000, $0x38;
	[tilespmem:$0x16400] =	vst v63  }
0x72: {  	_ =	swait.ge [sflag:s25], $0x4000  }
0x73: {  	[sflag:s25] =	ssyncset.done $0x0  }
0x74: {  	[sflag:s25] =	ssyncadd.s32 $0xFFFFC000  }
0x75: {  	_ =	swait.ge [sflag:s25], $0x4000  }
0x76: {  	[sflag:s25] =	ssyncset.done $0x0  }
0x77: {  	s30 =	sadd.s32 $0x1, s30;
	[sflag:s25] =	ssyncadd.s32 $0xFFFFC000  }
0x78: {  	[hbm4b:s10+s3] =	stream.linear.scatter [tilespmem:s18], [sflag:$0x4], $0x8000, $0x38;
	[tilespmem:$0x16400] =	vst v63  }
0x79: {  	p0 =	sne.s32 s30, s6;
	_ =	swait.ge [sflag:s22], $0x8000  }
.Ltmp1:
0x7a: {  	[sflag:s22] =	ssyncset.done $0x0;
	(pc) =	sbr.rel @p0 .LBB2_1-.Ltmp1, $4  }
0x7b: {  	[sflag:s22] =	ssyncadd.s32 $0xFFFF8000  }
0x7c: {  	_ =	swait.ge [sflag:s26], $0x8000  }
0x7d: {  	[sflag:s26] =	ssyncset.done $0x0  }
0x7e: {  	[sflag:s26] =	ssyncadd.s32 $0xFFFF8000  }
0x7f: {  	_ =	sfence.sel $0x180000  }
0x80: {  	[bflag:$0x0] =	sbarrier.arrive $0xFFFF  }
0x81: {  	_ =	strace $0x90000047  }
0x82: {  	s0 =	stileid.u32;
	[bflag:$0x2] =	sbarrier.arrive $0xFFFF  }
0x83: {  	p0 =	sne.s32 s0, $0x0;
	s0 =	rddreg [dreg:$0x2]  }
0x84: {  	s0 =	sadd.s32 @!p0 $0x100000, s0  }
0x85: {  	[sflag:s0] =	ssyncadd.tile.s32 @!p0 $0x1;
	_ =	shalt  }
.Lfunc_end2:
_tile_overlayer_lowered:
.L_overlay_start_2:
0x86: {  	(tag) =	ssettag $0x2  }
0x87: {  	s0 =	rddreg [dreg:$0x0];
	s2 =	stileid.u32  }
0x88: {  	s1 =	rddreg [dreg:$0x1];
	p0 =	sne.s32 s2, $0x0  }
0x89: {  	s3 =	rddreg [dreg:$0x2];
	[bflag:$0x3] =	sbarrier.arrive $0xFFFF;
	s2 =	simm.s32 @!p0 $0x1C05  }
0x8a: {  	[timem:s3], [sflag:s2] =	dma.local @!p0 [hbm:s0], s1  }
0x8b: {  	s0 =	simm.s32 @!p0 $0x5  }
0x8c: {  	_ =	swait.ge @!p0 [sflag:s0], s1  }
0x8d: {  	s1 =	ssub.s32 @!p0 $0x0, s1;
	[sflag:s0] =	ssyncset.done @!p0 $0x0  }
0x8e: {  	[sflag:s0] =	ssyncadd.s32 @!p0 s1  }
0x8f: {  	[bflag:$0x3] =	sbarrier.arrive $0xFFFF  }
0x90: {  	_ =	shalt  }

// kernel: sparse-core-data-format-call.cloned.1.call-start
scs
called_computation_lowered:
.L_overlay_start_0:
0x0: {  	s2 =	sld [smem:$0x3FD9]  }
0x1: {  	s3 =	sld [smem:$0x3FFE];
	_ =	sdelay $0x1  }
0x2: {  	s1 =	srdreg.scid  }
0x3: {  	s0 =	sand.u32 $0x1, s1  }
0x4: {  	s18 =	sshll.u32 s0, $0xA;
	s2 =	sadd.s32 s3, s2  }
0x5: {  	s2 =	sadd.s32 s2, s18  }
0x6: {  	[smem:$0x3FC6] =	sst s2  }
0x7: {  	_ = 	snop  }
0x8: {  	s2 =	sld [smem:$0x3FD0];
	(tm) =	ssettm $0x1  }
0x9: {  	s19 =	sld [smem:$0x3FFB];
	_ =	sdelay $0x3  }
0xa: {  	_ =	strace s19  }
0xb: {  	s3 =	sld [smem:$0x3FFC];
	_ =	sdelay $0x3  }
0xc: {  	_ =	strace s3  }
0xd: {  	s3 =	sld [smem:$0x3FFD];
	_ =	sdelay $0x3  }
0xe: {  	_ =	strace s3  }
0xf: {  	_ =	strace $0x8FFFFFFF  }
0x10: {  	s20 =	sld [smem:$0x3FDB];
	_ =	sdelay $0x1  }
0x11: {  	s4 =	simm.s32 $_scs_section_size  }
0x12: {  	s5 =	simm.s32 $_size__tile_overlayer_lowered;
	s6 =	simm.s32 $_tile_overlayer_lowered  }
0x13: {  	s23 =	simm.s32 $0x1BFF;
	s22 =	sshll.u32 s6, $0x1;
	s3 =	sadd.s32 s4, s20  }
0x14: {  	s7 =	simm.s32 $0x0;
	s21 =	sshll.u32 s5, $0x1;
	s5 =	sadd.s32 s22, s3  }
0x15: {  	[timem:s7], [sflag:s23] =	dma.local [hbm:s5], s21  }
0x16: {  	_ =	swait.ge [sflag:s23], s21  }
0x17: {  	s4 =	ssub.s32 $0x0, s21;
	[sflag:s23] =	ssyncset.done $0x0  }
0x18: {  	[sflag:s23] =	ssyncadd.s32 s4;
	_ =	sdelay $0x1  }
0x19: {  	s24 =	simm.s32 $0x1B8B  }
0x1a: {  	_ =	swait.ge [sflag:s24], $0x1  }
0x1b: {  	[sflag:s24] =	ssyncset.done $0x0  }
0x1c: {  	s26 =	simm.s32 $0x1B8E;
	s25 =	sld [smem:$0x3FFE];
	[sflag:s24] =	ssyncadd.s32 $0xFFFFFFFF  }
0x1d: {  	s27 =	simm.s32 $execute0_lowered;
	[smem:$0x3FD2] =	sst s26  }
0x1e: {  	s5 =	sshll.u32 s27, $0x1;
	_ =	strace $0x80000049;
	[dreg:$0x1] =	wrdreg $0xFFFFFFFF  }
0x1f: {  	s28 =	simm.s32 $_size_execute0_lowered;
	s3 =	sadd.s32 s3, s5;
	[dreg:$0x0] =	wrdreg $0x0  }
0x20: {  	s5 =	sshll.u32 s28, $0x1;
	[dreg:$0x2] =	wrdreg s3  }
0x21: {  	[dreg:$0x3] =	wrdreg s5  }
0x22: {  	[dreg:$0x4] =	wrdreg $0xC0  }
0x23: {  	_ =	task [dreg:s7], $0x5FFFF  }
0x24: {  	[dreg:$0x1] =	wrdreg $0xFFFFFFFF  }
0x25: {  	[dreg:$0x0] =	wrdreg $0x60  }
0x26: {  	[dreg:$0x2] =	wrdreg s25  }
0x27: {  	[dreg:$0x3] =	wrdreg s2  }
0x28: {  	[dreg:$0x4] =	wrdreg $0x9  }
0x29: {  	_ =	task.clear_ibuf [dreg:s7], $0x5FFFF;
	_ =	strace $0x90000049  }
0x2a: {  	s29 =	simm.s32 $0x9;
	_ =	strace $0x8000004B  }
0x2b: {  	_ =	swait.ge [sflag:s29], $0x1  }
0x2c: {  	[sflag:s29] =	ssyncadd.s32 $0xFFFFFFFF  }
0x2d: {  	_ =	strace $0x9000004B  }
0x2e: {  	_ =	sfence  }
0x2f: {  	s30 =	sld [smem:$0x0];
	_ =	sdelay $0x2  }
0x30: {  	s31 =	sshll.u32 s1, $0xD;
	s1 =	sshrl.u32 s1, $0x2  }
0x31: {  	s3 =	sand.u32 $0x4000, s31;
	s1 =	sadd.s32 s1, s30  }
0x32: {  	s0 =	sor.u32 s3, s0;
	s1 =	sshll.u32 s1, $0x11  }
0x33: {  	s0 =	sor.u32 s1, s0  }
0x34: {  	s0 =	sadd.s32 $0x8F2B, s0  }
0x35: {  	[sflag:s0] =	ssyncadd.remote.s32 $0x1  }
0x36: {  	_ =	sfence.sel $0xFFFF  }
0x37: {  	[dreg:$0x0] =	wrdreg $0xFFFFFFFF;
	(pc) =	sbr.abs _section_cstart, $3  }
0x38: {  	[dreg:$0x1] =	wrdreg $0xFFFFFFFF  }
0x39: {  	_ =	task.clear_ibuf [dreg:s7], $0x2FFFF;
	_ =	strace $0x9FFFFFFF  }
0x3a: {  	(tm) =	ssettm $0x7FFFFFFF  }
0x3b: {  	_ =	shalt  }
tec
execute0_lowered:
.L_overlay_start_1:
0x0: {  	(tag) =	ssettag $0x1  }
0x1: {  	s0 =	srdreg.scid  }
0x2: {  	s1 =	sshll.u32 s0, $0x4  }
0x3: {  	s0 =	stileid.u32;
	s1 =	sand.u32 $0x10, s1  }
0x4: {  	s1 =	sor.u32 s0, s1  }
0x5: {  	s6 =	rddreg [dreg:$0x0];
	s4 =	simm.s32 $0x1;
	s2 =	sshll.u32 s1, $0x7  }
0x6: {  	s7 =	simm.s32 $0x2;
	s12 =	simm.s32 $0x0;
	s1 =	ssub.s32 $0x4000, s2  }
0x7: {  	s8 =	simm.s32 $0x20000;
	s13 =	simm.s32 $0x0;
	s3 =	sand.u32 $0xF80, s1  }
0x8: {  	s9 =	simm.s32 $0x0;
	s5 =	sshrl.u32 s1, $0xC;
	p0 =	sne.s32 s3, $0x0  }
.Ltmp0:
0x9: {  	s1 =	rddreg [dreg:$0x2];
	s4 =	simm.s32 @!p0 $0x0;
	(pc) =	sbr.rel .LBB1_1-.Ltmp0, $4  }
0xa: {  	s11 =	simm.s32 $0x0;
	s3 =	rddreg [dreg:$0x1];
	s5 =	sadd.s32 s4, s5  }
0xb: {  	_ =	strace $0x8000004A;
	s4 =	simm.s32 $0x1;
	s5 =	smul.u32 $0x32, s5  }
0xc: {  	s6 =	sadd.s32 $0x800, s6;
	s10 =	smov.u32 s2;
	[sflag:s4] =	ssyncpa.u1 $0x0  }
0xd: {  	p0 =	por $0x0, $0x0;
	[sflag:s7] =	ssyncpa.u1 $0x0;
	s7 =	sor.u32 $0x1, s5  }
.LBB1_4:
0xe: {  	s16 =	sshll.u32 s13, $0x3;
	s17 =	sand.u32 $0x78, s13  }
0xf: {  	s30 =	sand.u32 $0x1F800, s13;
	s12 =	sshll.u32 s12, $0x11;
	s16 =	sand.u32 $0x3C00, s16  }
0x10: {  	[tilespmem:s15+$0x810 ss:$0x81] =	vst.msk $0xffff, v2;
	s31 =	sand.u32 $0x7, s13;
	s16 =	sor.u32 s17, s16;
	s17 =	sadd.s32 s3, s30  }
0x11: {  	[tilespmem:s15+$0x1020 ss:$0x81] =	vst.msk $0xffff, v0;
	s13 =	sshll.u32 s31, $0x12;
	s12 =	sadd.s32 s12, s17;
	s16 =	sshrl.u32 s16, $0x3  }
0x12: {  	[tilespmem:s15+$0x0 ss:$0x81] =	vst.msk $0xffff, v1;
	s13 =	sor.u32 $0x400, s13;
	s12 =	sadd.s32 s16, s12  }
0x13: {  	[hbm4b:s12+s13] =	stream.strided.scatter [tilespmem:s14], [sflag:$0x2], $0x2000, s8, s13, $0x20;
	[tilespmem:$0x8080] =	vst v63  }
.LBB1_5:
0x14: {  	s14 =	sadd.s32 $0x1, s9  }
0x15: {  	s12 =	sadd.s32 $0x1000, s10;
	s16 =	smov.u32 s10;
	p2 =	sgt.s32 s14, $0x31  }
0x16: {  	s16 =	smov.u32 @p2 s12  }
0x17: {  	s14 =	simm.s32 @p2 $0x0;
	p2 =	sgt.s32 s16, $0x3FFF  }
0x18: {  	s16 =	smov.u32 @p2 s2;
	p2 =	sne.s32 s11, s7  }
.Ltmp1:
0x19: {  	p1 =	slt.u32 s11, $0x2;
	(pc) =	sbr.rel @!p2 .LBB1_6-.Ltmp1, $4  }
0x1a: {  	s15 =	simm.s32 @!p1 $0x2  }
0x1b: {  	s13 =	smov.u32 s10;
	p0 =	por !p0, !p0;
	_ =	swait.ge @!p1 [sflag:s15], $0x2000  }
0x1c: {  	s12 =	smov.u32 s9;
	[sflag:s15] =	ssyncset.done @!p1 $0x0;
	s9 =	smov.u32 s14  }
0x1d: {  	s11 =	sadd.s32 $0x1, s11;
	[sflag:s15] =	ssyncadd.s32 @!p1 $0xFFFFE000;
	s10 =	smov.u32 s16  }
.LBB1_1:
0x1e: {  	p1 =	sge.u32 s11, s5  }
0x1f: {  	s14 =	sand.u32 @!p1 $0x1FFFFFF, s9  }
0x20: {  	s15 =	smulhi.u32 @!p1 $0x4924925, s14;
	_ =	sdelay $0x1  }
0x21: {  	s15 =	smul.u32 @!p1 $0x38, s15  }
0x22: {  	s16 =	sxor.u32 @!p1 $0xFFFFFFFF, s11;
	s17 =	smul.u32 @!p1 $0x380, s10  }
0x23: {  	s31 =	sadd.s32 $0xFFFFFFFF, s11;
	s16 =	sshll.u32 @!p1 s16, $0xD;
	s14 =	ssub.s32 @!p1 s14, s15  }
0x24: {  	s15 =	sand.u32 @!p1 $0x2000, s16;
	s16 =	sadd.s32 @!p1 s6, s17;
	s14 =	sshll.u32 @!p1 s14, $0x4  }
0x25: {  	s17 =	simm.s32 @!p1 $0x1C00;
	s14 =	sadd.s32 @!p1 s14, s16;
	s16 =	simm.s32 @!p1 $0x40  }
0x26: {  	[tilespmem:s15], [sflag:$0x1] =	stream.strided.gather @!p1 [hbm4b:s14+s16], $0x2000, s17, s16, $0x38;
	[tilespmem:$0x8080] =	vst v63  }
0x27: {  	p1 =	sge.u32 s31, s5  }
.Ltmp2:
0x28: {  	_ = 	snop;
	(pc) =	sbr.rel @p1 .LBB1_5-.Ltmp2, $1  }
0x29: {  	_ =	sdelay $0x3  }
0x2a: {  	s14 =	simm.s32 $0x1  }
0x2b: {  	_ =	swait.ge [sflag:s4], $0x2000;
	s14 =	simm.s32 @!p0 $0x0  }
0x2c: {  	[sflag:s4] =	ssyncset.done $0x0;
	s15 =	sshll.u32 s14, $0xD  }
0x2d: {  	[sflag:s4] =	ssyncadd.s32 $0xFFFFE000;
	s18 =	sor.u32 $0x20, s15  }
0x2e: {  	s14 =	smul.u32 $0x8100, s14;
	v3 =	vld [tilespmem:s18+$0x10]  }
0x2f: {  	s30 =	sand.u32 $0x1, s11;
	v2 =	vld [tilespmem:s18+$0xFFFFFFF0]  }
0x30: {  	s15 =	smul.u32 $0x8100, s30;
	s14 =	sshrl.u32 s14, $0x2;
	v0 =	vld [tilespmem:s18+$0x0]  }
0x31: {  	v1 =	vld [tilespmem:s18+$0xFFFFFFE0];
	s16 =	sor.u32 $0x4000, s14  }
0x32: {  	s31 =	sshrl.u32 s15, $0x2;
	s15 =	sadd.s32 $0x0, s16  }
0x33: {  	s17 =	simm.s32 $0x4;
	s18 =	sadd.s32 $0x40, s18;
	s14 =	sor.u32 $0x4000, s31;
	[tilespmem:s15+$0x1830 ss:$0x81] =	vst.msk $0xffff, v3  }
.LBB1_3:
0x34: {  	v3 =	vld [tilespmem:s18+$0x10];
	p1 =	sne.s32 s17, $0x1FC;
	[tilespmem:s15+$0x810 ss:$0x81] =	vst.msk $0xffff, v2;
	s19 =	smov.u32 s17;
	s17 =	sadd.s32 $0x4, s17  }
.Ltmp3:
0x35: {  	v2 =	vld [tilespmem:s18+$0xFFFFFFF0];
	[tilespmem:s15+$0x1020 ss:$0x81] =	vst.msk $0xffff, v0;
	(pc) =	sbr.rel @p1 .LBB1_3-.Ltmp3, $4  }
0x36: {  	v0 =	vld [tilespmem:s18+$0x0];
	[tilespmem:s15+$0x0 ss:$0x81] =	vst.msk $0xffff, v1  }
0x37: {  	s15 =	sshra.s32 s19, $0x2;
	v1 =	vld [tilespmem:s18+$0xFFFFFFE0]  }
0x38: {  	s15 =	sadd.s32 s15, s16  }
0x39: {  	s18 =	sadd.s32 $0x40, s18;
	[tilespmem:s15+$0x1830 ss:$0x81] =	vst.msk $0xffff, v3  }
.Ltmp4:
0x3a: {  	_ = 	snop;
	(pc) =	sbr.rel .LBB1_4-.Ltmp4, $1  }
0x3b: {  	_ =	sdelay $0x3  }
.LBB1_6:
0x3c: {  	_ =	sfence.sel $0x180000  }
0x3d: {  	s2 =	simm.s32 $0x1;
	[bflag:$0x0] =	sbarrier.arrive $0xFFFF  }
0x3e: {  	s31 =	simm.s32 $0x2;
	[sflag:s2] =	ssyncpa.u1 $0x1  }
0x3f: {  	[sflag:s31] =	ssyncpa.u1 $0x1  }
0x40: {  	p0 =	sne.s32 s0, $0x0;
	_ =	strace $0x9000004A  }
0x41: {  	s0 =	sadd.s32 @!p0 $0x100000, s1;
	[bflag:$0x2] =	sbarrier.arrive $0xFFFF  }
0x42: {  	[sflag:s0] =	ssyncadd.tile.s32 @!p0 $0x1;
	_ =	shalt  }
.Lfunc_end1:
_tile_overlayer_lowered:
.L_overlay_start_2:
0x43: {  	(tag) =	ssettag $0x2  }
0x44: {  	s0 =	rddreg [dreg:$0x0];
	s2 =	stileid.u32  }
0x45: {  	s1 =	rddreg [dreg:$0x1];
	p0 =	sne.s32 s2, $0x0  }
0x46: {  	s3 =	rddreg [dreg:$0x2];
	[bflag:$0x3] =	sbarrier.arrive $0xFFFF;
	s2 =	simm.s32 @!p0 $0x1C01  }
0x47: {  	[timem:s3], [sflag:s2] =	dma.local @!p0 [hbm:s0], s1  }
0x48: {  	s0 =	simm.s32 @!p0 $0x1  }
0x49: {  	_ =	swait.ge @!p0 [sflag:s0], s1  }
0x4a: {  	s1 =	ssub.s32 @!p0 $0x0, s1;
	[sflag:s0] =	ssyncset.done @!p0 $0x0  }
0x4b: {  	[sflag:s0] =	ssyncadd.s32 @!p0 s1  }
0x4c: {  	[bflag:$0x3] =	sbarrier.arrive $0xFFFF  }
0x4d: {  	_ =	shalt  }

</sc_bundles>
